<compile_context>
chip_gen: v7x
topology: tpu7x:2x2x1
jax: 0.10.2.dev20260603
libtpu: 0.0.44.dev20260713+nightly
codegen_flags: <defaults>
</compile_context>

<pallas_src>
import functools

import jax
import jax.numpy as jnp
from jax import lax
from jax.experimental import pallas as pl
from jax.experimental.pallas import tpu as pltpu
from jax.experimental.pallas import tpu_sc as plsc

_INPUT_DIM = 8192
_OUTPUT_DIM = 64

_NC = 2
_NS = 16
_NW = _NC * _NS

_D0 = 4096
_P = 200
_B = _D0 * _P
_BPW = _B // _NW
_CHUNK = 128
_NCHUNK = _BPW // _CHUNK
_NB = 8
_NGROUP = _NCHUNK // _NB

_mesh = plsc.VectorSubcoreMesh(core_axis_name="c", subcore_axis_name="s")


@functools.partial(
    pl.kernel,
    out_type=jax.ShapeDtypeStruct((_B // 2, 2 * _OUTPUT_DIM), jnp.float32),
    mesh=_mesh,
    scratch_types=[
        pltpu.VMEM((_NCHUNK, 2, _CHUNK // 2), jnp.int32),
        pltpu.VMEM((2, _NB, _CHUNK // 2, _OUTPUT_DIM), jnp.float32),
        [pltpu.SemaphoreType.DMA] * _NB,
        [pltpu.SemaphoreType.DMA] * _NB,
    ],
    compiler_params=pltpu.CompilerParams(use_tc_tiling_on_sc=False),
)
def _gather_kernel(idx_hbm, table_hbm, out_hbm, idx_v, rows_v, gsems, ssems):
    wid = lax.axis_index("s") * _NC + lax.axis_index("c")
    base2 = wid * (_BPW // 2)
    h = _CHUNK // 2

    pltpu.sync_copy(idx_hbm.at[wid], idx_v)

    def fire(j, b):
        pltpu.async_copy(table_hbm.at[idx_v.at[j, 0]], rows_v.at[0, b], gsems[b])
        pltpu.async_copy(table_hbm.at[idx_v.at[j, 1]], rows_v.at[1, b], gsems[b])

    for b in range(_NB):
        fire(b, b)

    def group(g, carry):
        j0 = g * _NB
        for b in range(_NB):
            for e in range(2):
                pltpu.make_async_copy(
                    table_hbm.at[idx_v.at[0, 0]], rows_v.at[e, b], gsems[b]
                ).wait()
            off = base2 + (j0 + b) * h
            for e in range(2):
                pltpu.async_copy(
                    rows_v.at[e, b],
                    out_hbm.at[pl.ds(off, h), pl.ds(e * _OUTPUT_DIM, _OUTPUT_DIM)],
                    ssems[b],
                )
        for b in range(_NB):
            for e in range(2):
                pltpu.make_async_copy(
                    rows_v.at[e, b],
                    out_hbm.at[pl.ds(base2, h), pl.ds(e * _OUTPUT_DIM, _OUTPUT_DIM)],
                    ssems[b],
                ).wait()

            @pl.when(g < _NGROUP - 1)
            def _():
                fire(j0 + _NB + b, b)

        return carry

    lax.fori_loop(0, _NGROUP, group, 0)


def _transpose_body(in_ref, out_ref):
    x = in_ref[0]
    out_ref[0, :, : _D0 // 2] = x[:, : _OUTPUT_DIM].T
    out_ref[0, :, _D0 // 2 :] = x[:, _OUTPUT_DIM :].T


_transpose = pl.pallas_call(
    _transpose_body,
    grid=(_P,),
    in_specs=[pl.BlockSpec((1, _D0 // 2, 128), lambda i: (i, 0, 0))],
    out_specs=pl.BlockSpec((1, _OUTPUT_DIM, _D0), lambda i: (i, 0, 0)),
    out_shape=jax.ShapeDtypeStruct((_P, _OUTPUT_DIM, _D0), jnp.float32),
)


def kernel(inputs, pos_matrix):
    idx = (
        inputs.T.reshape(_P, 2, 32, _CHUNK // 2)
        .transpose(0, 2, 1, 3)
        .reshape(_NW, _NCHUNK, 2, _CHUNK // 2)
    )
    table = pos_matrix.reshape(_INPUT_DIM, -1)[:, :_OUTPUT_DIM]
    packed = _gather_kernel(idx, table).reshape(_P, _D0 // 2, 128)
    return _transpose(packed).transpose(2, 0, 1)

# --- scband reference (transcript-rebuilt; emitter-appended) ---
"""Pipeline reference for scband-positional-embedding-9079560864476 (READ-ONLY COPY).

The authoritative reference and input builder live on the scoring server;
editing this copy changes nothing except your own understanding.
"""

import jax, jax.numpy as jnp
import numpy as np

INPUT_DIM = 8192
OUTPUT_DIM = 64


def _make_pos_matrix():
    reg_dim = OUTPUT_DIM + 1 if OUTPUT_DIM % 2 else OUTPUT_DIM
    aux_k = jnp.arange(INPUT_DIM, dtype=jnp.float32)[:, None]
    aux_i = jnp.arange(reg_dim // 2, dtype=jnp.float32)[None, :]
    denom = jnp.power(jnp.float32(INPUT_DIM), 2.0 * aux_i / reg_dim)
    pos_matrix = jnp.concatenate((jnp.sin(aux_k / denom), jnp.cos(aux_k / denom)), axis=1)[None, ...]
    return pos_matrix


def setup_inputs(seed: int = 0) -> dict:
    key = jax.random.key(seed)
    inputs = jax.random.randint(key, (4096, 200), 0, INPUT_DIM, dtype=jnp.int32)
    pos_matrix = _make_pos_matrix()
    return {"inputs": inputs, "pos_matrix": pos_matrix}


def reference(inputs, pos_matrix):
    idx = jnp.clip(inputs, 0, INPUT_DIM - 1)[..., None]
    out = jnp.take_along_axis(pos_matrix, idx, axis=-2)[..., :OUTPUT_DIM]
    return out

if __name__ == "__main__":
    import jax
    _d = setup_inputs()
    print(jax.jit(kernel)(*tuple(_d.values())))

</pallas_src>

<mosaic_0001>
#map = affine_map<(d0, d1) -> (0, 0, 0, 0)>
#map1 = affine_map<(d0, d1) -> (0, 0)>
module attributes {stable_mosaic.version = 14 : i64} {
  func.func @_gather_kernel(%arg0: i32, %arg1: i32, %arg2: memref<32x200x2x64xi32, #tpu.memory_space<hbm>>, %arg3: memref<8192x64xf32, #tpu.memory_space<hbm>>, %arg4: memref<409600x128xf32, #tpu.memory_space<hbm>>, %arg5: memref<200x2x64xi32, #tpu.memory_space<vmem>>, %arg6: memref<2x8x64x64xf32, #tpu.memory_space<vmem>>, %arg7: memref<!tpu.dma_semaphore, #tpu.memory_space<semaphore_mem>>, %arg8: memref<!tpu.dma_semaphore, #tpu.memory_space<semaphore_mem>>, %arg9: memref<!tpu.dma_semaphore, #tpu.memory_space<semaphore_mem>>, %arg10: memref<!tpu.dma_semaphore, #tpu.memory_space<semaphore_mem>>, %arg11: memref<!tpu.dma_semaphore, #tpu.memory_space<semaphore_mem>>, %arg12: memref<!tpu.dma_semaphore, #tpu.memory_space<semaphore_mem>>, %arg13: memref<!tpu.dma_semaphore, #tpu.memory_space<semaphore_mem>>, %arg14: memref<!tpu.dma_semaphore, #tpu.memory_space<semaphore_mem>>, %arg15: memref<!tpu.dma_semaphore, #tpu.memory_space<semaphore_mem>>, %arg16: memref<!tpu.dma_semaphore, #tpu.memory_space<semaphore_mem>>, %arg17: memref<!tpu.dma_semaphore, #tpu.memory_space<semaphore_mem>>, %arg18: memref<!tpu.dma_semaphore, #tpu.memory_space<semaphore_mem>>, %arg19: memref<!tpu.dma_semaphore, #tpu.memory_space<semaphore_mem>>, %arg20: memref<!tpu.dma_semaphore, #tpu.memory_space<semaphore_mem>>, %arg21: memref<!tpu.dma_semaphore, #tpu.memory_space<semaphore_mem>>, %arg22: memref<!tpu.dma_semaphore, #tpu.memory_space<semaphore_mem>>) attributes {dimension_semantics = [#tpu.dimension_semantics<core_parallel>, #tpu.dimension_semantics<subcore_parallel>], iteration_bounds = array<i64: 2, 16>, scalar_prefetch = 0 : i64, scratch_operands = 18 : i64, tpu.core_type = #tpu.core_type<sc_vector_subcore>, window_params = [{transform_indices = #map}, {transform_indices = #map1}, {transform_indices = #map1}]} {
    %mul3A = arith.constant 2 : i32
    %mul3A_0 = arith.muli %arg1, %mul3A : i32
    %add3A = arith.addi %mul3A_0, %arg0 : i32
    %mul3A_1 = arith.constant 12800 : i32
    %mul3A_2 = arith.muli %add3A, %mul3A_1 : i32
    "tpu.region"() ({
      %run_scoped3A = tpu.sem_alloc : memref<!tpu.dma_semaphore, #tpu.memory_space<semaphore_mem>>
      %dma_start3A_231 = arith.constant 0 : i32
      %dma_start3A_232 = arith.constant 0 : i32
      %dma_start3A_233 = arith.constant 0 : i32
      %dma_start3A_234 = tpu.memref_slice %arg2[%add3A, %dma_start3A_231, %dma_start3A_232, %dma_start3A_233] : memref<32x200x2x64xi32, #tpu.memory_space<hbm>> -> memref<1x200x2x64xi32, #tpu.memory_space<hbm>>
      %dma_start3A_235 = tpu.memref_squeeze %dma_start3A_234 : memref<1x200x2x64xi32, #tpu.memory_space<hbm>> -> memref<200x2x64xi32, #tpu.memory_space<hbm>>
      %dma_start3A_236 = arith.constant 0 : i32
      %dma_start3A_237 = arith.constant 0 : i32
      %dma_start3A_238 = arith.constant 0 : i32
      %dma_start3A_239 = tpu.memref_slice %arg2[%add3A, %dma_start3A_236, %dma_start3A_237, %dma_start3A_238] : memref<32x200x2x64xi32, #tpu.memory_space<hbm>> -> memref<1x200x2x64xi32, #tpu.memory_space<hbm>>
      %dma_start3A_240 = tpu.memref_squeeze %dma_start3A_239 : memref<1x200x2x64xi32, #tpu.memory_space<hbm>> -> memref<200x2x64xi32, #tpu.memory_space<hbm>>
      tpu.enqueue_dma source(%dma_start3A_240 : memref<200x2x64xi32, #tpu.memory_space<hbm>>) target(%arg5 : memref<200x2x64xi32, #tpu.memory_space<vmem>>) target_semaphore(%run_scoped3A : memref<!tpu.dma_semaphore, #tpu.memory_space<semaphore_mem>>)
      %dma_wait3A = arith.constant 0 : i32
      %dma_wait3A_241 = arith.constant 0 : i32
      %dma_wait3A_242 = arith.constant 0 : i32
      %dma_wait3A_243 = tpu.memref_slice %arg2[%add3A, %dma_wait3A, %dma_wait3A_241, %dma_wait3A_242] : memref<32x200x2x64xi32, #tpu.memory_space<hbm>> -> memref<1x200x2x64xi32, #tpu.memory_space<hbm>>
      %dma_wait3A_244 = tpu.memref_squeeze %dma_wait3A_243 : memref<1x200x2x64xi32, #tpu.memory_space<hbm>> -> memref<200x2x64xi32, #tpu.memory_space<hbm>>
      %dma_wait3A_245 = arith.constant 0 : i32
      %dma_wait3A_246 = arith.constant 0 : i32
      %dma_wait3A_247 = arith.constant 0 : i32
      %dma_wait3A_248 = tpu.memref_slice %arg2[%add3A, %dma_wait3A_245, %dma_wait3A_246, %dma_wait3A_247] : memref<32x200x2x64xi32, #tpu.memory_space<hbm>> -> memref<1x200x2x64xi32, #tpu.memory_space<hbm>>
      %dma_wait3A_249 = tpu.memref_squeeze %dma_wait3A_248 : memref<1x200x2x64xi32, #tpu.memory_space<hbm>> -> memref<200x2x64xi32, #tpu.memory_space<hbm>>
      tpu.wait_dma2 semaphore(%run_scoped3A : memref<!tpu.dma_semaphore, #tpu.memory_space<semaphore_mem>>) src(%dma_wait3A_249 : memref<200x2x64xi32, #tpu.memory_space<hbm>>) dst(%arg5 : memref<200x2x64xi32, #tpu.memory_space<vmem>>)
      tpu.yield
    }) : () -> ()
    %dma_start3A = arith.constant 0 : i32
    %dma_start3A_3 = arith.constant 0 : i32
    %dma_start3A_4 = arith.constant 0 : i32
    %dma_start3A_5 = arith.constant 0 : i32
    %dma_start3A_6 = arith.constant 0 : i32
    %dma_start3A_7 = arith.constant 0 : i32
    %dma_start3A_8 = tpu.memref_slice %arg6[%dma_start3A_4, %dma_start3A_5, %dma_start3A_6, %dma_start3A_7] : memref<2x8x64x64xf32, #tpu.memory_space<vmem>> -> memref<1x1x64x64xf32, #tpu.memory_space<vmem>>
    %dma_start3A_9 = tpu.memref_squeeze %dma_start3A_8 : memref<1x1x64x64xf32, #tpu.memory_space<vmem>> -> memref<64x64xf32, #tpu.memory_space<vmem>>
    %dma_start3A_10 = arith.constant 0 : i32
    %dma_start3A_11 = tpu.memref_slice %arg5[%dma_start3A, %dma_start3A_3, %dma_start3A_10] : memref<200x2x64xi32, #tpu.memory_space<vmem>> -> memref<1x1x64xi32, #tpu.memory_space<vmem>>
    %dma_start3A_12 = tpu.memref_squeeze %dma_start3A_11 : memref<1x1x64xi32, #tpu.memory_space<vmem>> -> memref<64xi32, #tpu.memory_space<vmem>>
    %dma_start3A_13 = arith.constant 0 : i32
    %dma_start3A_14 = arith.constant 0 : i32
    %dma_start3A_15 = tpu.memref_slice %arg3[%dma_start3A_13, %dma_start3A_14] : memref<8192x64xf32, #tpu.memory_space<hbm>> -> memref<8192x64xf32, #tpu.memory_space<hbm>>
    tpu.enqueue_indirect_dma source(%dma_start3A_15 : memref<8192x64xf32, #tpu.memory_space<hbm>>) target(%dma_start3A_9 : memref<64x64xf32, #tpu.memory_space<vmem>>) offsets(%dma_start3A_12 : memref<64xi32, #tpu.memory_space<vmem>>) semaphore(%arg7 : memref<!tpu.dma_semaphore, #tpu.memory_space<semaphore_mem>>)
    %dma_start3A_16 = arith.constant 0 : i32
    %dma_start3A_17 = arith.constant 1 : i32
    %dma_start3A_18 = arith.constant 1 : i32
    %dma_start3A_19 = arith.constant 0 : i32
    %dma_start3A_20 = arith.constant 0 : i32
    %dma_start3A_21 = arith.constant 0 : i32
    %dma_start3A_22 = tpu.memref_slice %arg6[%dma_start3A_18, %dma_start3A_19, %dma_start3A_20, %dma_start3A_21] : memref<2x8x64x64xf32, #tpu.memory_space<vmem>> -> memref<1x1x64x64xf32, #tpu.memory_space<vmem>>
    %dma_start3A_23 = tpu.memref_squeeze %dma_start3A_22 : memref<1x1x64x64xf32, #tpu.memory_space<vmem>> -> memref<64x64xf32, #tpu.memory_space<vmem>>
    %dma_start3A_24 = arith.constant 0 : i32
    %dma_start3A_25 = tpu.memref_slice %arg5[%dma_start3A_16, %dma_start3A_17, %dma_start3A_24] : memref<200x2x64xi32, #tpu.memory_space<vmem>> -> memref<1x1x64xi32, #tpu.memory_space<vmem>>
    %dma_start3A_26 = tpu.memref_squeeze %dma_start3A_25 : memref<1x1x64xi32, #tpu.memory_space<vmem>> -> memref<64xi32, #tpu.memory_space<vmem>>
    %dma_start3A_27 = arith.constant 0 : i32
    %dma_start3A_28 = arith.constant 0 : i32
    %dma_start3A_29 = tpu.memref_slice %arg3[%dma_start3A_27, %dma_start3A_28] : memref<8192x64xf32, #tpu.memory_space<hbm>> -> memref<8192x64xf32, #tpu.memory_space<hbm>>
    tpu.enqueue_indirect_dma source(%dma_start3A_29 : memref<8192x64xf32, #tpu.memory_space<hbm>>) target(%dma_start3A_23 : memref<64x64xf32, #tpu.memory_space<vmem>>) offsets(%dma_start3A_26 : memref<64xi32, #tpu.memory_space<vmem>>) semaphore(%arg7 : memref<!tpu.dma_semaphore, #tpu.memory_space<semaphore_mem>>)
    %dma_start3A_30 = arith.constant 1 : i32
    %dma_start3A_31 = arith.constant 0 : i32
    %dma_start3A_32 = arith.constant 0 : i32
    %dma_start3A_33 = arith.constant 1 : i32
    %dma_start3A_34 = arith.constant 0 : i32
    %dma_start3A_35 = arith.constant 0 : i32
    %dma_start3A_36 = tpu.memref_slice %arg6[%dma_start3A_32, %dma_start3A_33, %dma_start3A_34, %dma_start3A_35] : memref<2x8x64x64xf32, #tpu.memory_space<vmem>> -> memref<1x1x64x64xf32, #tpu.memory_space<vmem>>
    %dma_start3A_37 = tpu.memref_squeeze %dma_start3A_36 : memref<1x1x64x64xf32, #tpu.memory_space<vmem>> -> memref<64x64xf32, #tpu.memory_space<vmem>>
    %dma_start3A_38 = arith.constant 0 : i32
    %dma_start3A_39 = tpu.memref_slice %arg5[%dma_start3A_30, %dma_start3A_31, %dma_start3A_38] : memref<200x2x64xi32, #tpu.memory_space<vmem>> -> memref<1x1x64xi32, #tpu.memory_space<vmem>>
    %dma_start3A_40 = tpu.memref_squeeze %dma_start3A_39 : memref<1x1x64xi32, #tpu.memory_space<vmem>> -> memref<64xi32, #tpu.memory_space<vmem>>
    %dma_start3A_41 = arith.constant 0 : i32
    %dma_start3A_42 = arith.constant 0 : i32
    %dma_start3A_43 = tpu.memref_slice %arg3[%dma_start3A_41, %dma_start3A_42] : memref<8192x64xf32, #tpu.memory_space<hbm>> -> memref<8192x64xf32, #tpu.memory_space<hbm>>
    tpu.enqueue_indirect_dma source(%dma_start3A_43 : memref<8192x64xf32, #tpu.memory_space<hbm>>) target(%dma_start3A_37 : memref<64x64xf32, #tpu.memory_space<vmem>>) offsets(%dma_start3A_40 : memref<64xi32, #tpu.memory_space<vmem>>) semaphore(%arg8 : memref<!tpu.dma_semaphore, #tpu.memory_space<semaphore_mem>>)
    %dma_start3A_44 = arith.constant 1 : i32
    %dma_start3A_45 = arith.constant 1 : i32
    %dma_start3A_46 = arith.constant 1 : i32
    %dma_start3A_47 = arith.constant 1 : i32
    %dma_start3A_48 = arith.constant 0 : i32
    %dma_start3A_49 = arith.constant 0 : i32
    %dma_start3A_50 = tpu.memref_slice %arg6[%dma_start3A_46, %dma_start3A_47, %dma_start3A_48, %dma_start3A_49] : memref<2x8x64x64xf32, #tpu.memory_space<vmem>> -> memref<1x1x64x64xf32, #tpu.memory_space<vmem>>
    %dma_start3A_51 = tpu.memref_squeeze %dma_start3A_50 : memref<1x1x64x64xf32, #tpu.memory_space<vmem>> -> memref<64x64xf32, #tpu.memory_space<vmem>>
    %dma_start3A_52 = arith.constant 0 : i32
    %dma_start3A_53 = tpu.memref_slice %arg5[%dma_start3A_44, %dma_start3A_45, %dma_start3A_52] : memref<200x2x64xi32, #tpu.memory_space<vmem>> -> memref<1x1x64xi32, #tpu.memory_space<vmem>>
    %dma_start3A_54 = tpu.memref_squeeze %dma_start3A_53 : memref<1x1x64xi32, #tpu.memory_space<vmem>> -> memref<64xi32, #tpu.memory_space<vmem>>
    %dma_start3A_55 = arith.constant 0 : i32
    %dma_start3A_56 = arith.constant 0 : i32
    %dma_start3A_57 = tpu.memref_slice %arg3[%dma_start3A_55, %dma_start3A_56] : memref<8192x64xf32, #tpu.memory_space<hbm>> -> memref<8192x64xf32, #tpu.memory_space<hbm>>
    tpu.enqueue_indirect_dma source(%dma_start3A_57 : memref<8192x64xf32, #tpu.memory_space<hbm>>) target(%dma_start3A_51 : memref<64x64xf32, #tpu.memory_space<vmem>>) offsets(%dma_start3A_54 : memref<64xi32, #tpu.memory_space<vmem>>) semaphore(%arg8 : memref<!tpu.dma_semaphore, #tpu.memory_space<semaphore_mem>>)
    %dma_start3A_58 = arith.constant 2 : i32
    %dma_start3A_59 = arith.constant 0 : i32
    %dma_start3A_60 = arith.constant 0 : i32
    %dma_start3A_61 = arith.constant 2 : i32
    %dma_start3A_62 = arith.constant 0 : i32
    %dma_start3A_63 = arith.constant 0 : i32
    %dma_start3A_64 = tpu.memref_slice %arg6[%dma_start3A_60, %dma_start3A_61, %dma_start3A_62, %dma_start3A_63] : memref<2x8x64x64xf32, #tpu.memory_space<vmem>> -> memref<1x1x64x64xf32, #tpu.memory_space<vmem>>
    %dma_start3A_65 = tpu.memref_squeeze %dma_start3A_64 : memref<1x1x64x64xf32, #tpu.memory_space<vmem>> -> memref<64x64xf32, #tpu.memory_space<vmem>>
    %dma_start3A_66 = arith.constant 0 : i32
    %dma_start3A_67 = tpu.memref_slice %arg5[%dma_start3A_58, %dma_start3A_59, %dma_start3A_66] : memref<200x2x64xi32, #tpu.memory_space<vmem>> -> memref<1x1x64xi32, #tpu.memory_space<vmem>>
    %dma_start3A_68 = tpu.memref_squeeze %dma_start3A_67 : memref<1x1x64xi32, #tpu.memory_space<vmem>> -> memref<64xi32, #tpu.memory_space<vmem>>
    %dma_start3A_69 = arith.constant 0 : i32
    %dma_start3A_70 = arith.constant 0 : i32
    %dma_start3A_71 = tpu.memref_slice %arg3[%dma_start3A_69, %dma_start3A_70] : memref<8192x64xf32, #tpu.memory_space<hbm>> -> memref<8192x64xf32, #tpu.memory_space<hbm>>
    tpu.enqueue_indirect_dma source(%dma_start3A_71 : memref<8192x64xf32, #tpu.memory_space<hbm>>) target(%dma_start3A_65 : memref<64x64xf32, #tpu.memory_space<vmem>>) offsets(%dma_start3A_68 : memref<64xi32, #tpu.memory_space<vmem>>) semaphore(%arg9 : memref<!tpu.dma_semaphore, #tpu.memory_space<semaphore_mem>>)
    %dma_start3A_72 = arith.constant 2 : i32
    %dma_start3A_73 = arith.constant 1 : i32
    %dma_start3A_74 = arith.constant 1 : i32
    %dma_start3A_75 = arith.constant 2 : i32
    %dma_start3A_76 = arith.constant 0 : i32
    %dma_start3A_77 = arith.constant 0 : i32
    %dma_start3A_78 = tpu.memref_slice %arg6[%dma_start3A_74, %dma_start3A_75, %dma_start3A_76, %dma_start3A_77] : memref<2x8x64x64xf32, #tpu.memory_space<vmem>> -> memref<1x1x64x64xf32, #tpu.memory_space<vmem>>
    %dma_start3A_79 = tpu.memref_squeeze %dma_start3A_78 : memref<1x1x64x64xf32, #tpu.memory_space<vmem>> -> memref<64x64xf32, #tpu.memory_space<vmem>>
    %dma_start3A_80 = arith.constant 0 : i32
    %dma_start3A_81 = tpu.memref_slice %arg5[%dma_start3A_72, %dma_start3A_73, %dma_start3A_80] : memref<200x2x64xi32, #tpu.memory_space<vmem>> -> memref<1x1x64xi32, #tpu.memory_space<vmem>>
    %dma_start3A_82 = tpu.memref_squeeze %dma_start3A_81 : memref<1x1x64xi32, #tpu.memory_space<vmem>> -> memref<64xi32, #tpu.memory_space<vmem>>
    %dma_start3A_83 = arith.constant 0 : i32
    %dma_start3A_84 = arith.constant 0 : i32
    %dma_start3A_85 = tpu.memref_slice %arg3[%dma_start3A_83, %dma_start3A_84] : memref<8192x64xf32, #tpu.memory_space<hbm>> -> memref<8192x64xf32, #tpu.memory_space<hbm>>
    tpu.enqueue_indirect_dma source(%dma_start3A_85 : memref<8192x64xf32, #tpu.memory_space<hbm>>) target(%dma_start3A_79 : memref<64x64xf32, #tpu.memory_space<vmem>>) offsets(%dma_start3A_82 : memref<64xi32, #tpu.memory_space<vmem>>) semaphore(%arg9 : memref<!tpu.dma_semaphore, #tpu.memory_space<semaphore_mem>>)
    %dma_start3A_86 = arith.constant 3 : i32
    %dma_start3A_87 = arith.constant 0 : i32
    %dma_start3A_88 = arith.constant 0 : i32
    %dma_start3A_89 = arith.constant 3 : i32
    %dma_start3A_90 = arith.constant 0 : i32
    %dma_start3A_91 = arith.constant 0 : i32
    %dma_start3A_92 = tpu.memref_slice %arg6[%dma_start3A_88, %dma_start3A_89, %dma_start3A_90, %dma_start3A_91] : memref<2x8x64x64xf32, #tpu.memory_space<vmem>> -> memref<1x1x64x64xf32, #tpu.memory_space<vmem>>
    %dma_start3A_93 = tpu.memref_squeeze %dma_start3A_92 : memref<1x1x64x64xf32, #tpu.memory_space<vmem>> -> memref<64x64xf32, #tpu.memory_space<vmem>>
    %dma_start3A_94 = arith.constant 0 : i32
    %dma_start3A_95 = tpu.memref_slice %arg5[%dma_start3A_86, %dma_start3A_87, %dma_start3A_94] : memref<200x2x64xi32, #tpu.memory_space<vmem>> -> memref<1x1x64xi32, #tpu.memory_space<vmem>>
    %dma_start3A_96 = tpu.memref_squeeze %dma_start3A_95 : memref<1x1x64xi32, #tpu.memory_space<vmem>> -> memref<64xi32, #tpu.memory_space<vmem>>
    %dma_start3A_97 = arith.constant 0 : i32
    %dma_start3A_98 = arith.constant 0 : i32
    %dma_start3A_99 = tpu.memref_slice %arg3[%dma_start3A_97, %dma_start3A_98] : memref<8192x64xf32, #tpu.memory_space<hbm>> -> memref<8192x64xf32, #tpu.memory_space<hbm>>
    tpu.enqueue_indirect_dma source(%dma_start3A_99 : memref<8192x64xf32, #tpu.memory_space<hbm>>) target(%dma_start3A_93 : memref<64x64xf32, #tpu.memory_space<vmem>>) offsets(%dma_start3A_96 : memref<64xi32, #tpu.memory_space<vmem>>) semaphore(%arg10 : memref<!tpu.dma_semaphore, #tpu.memory_space<semaphore_mem>>)
    %dma_start3A_100 = arith.constant 3 : i32
    %dma_start3A_101 = arith.constant 1 : i32
    %dma_start3A_102 = arith.constant 1 : i32
    %dma_start3A_103 = arith.constant 3 : i32
    %dma_start3A_104 = arith.constant 0 : i32
    %dma_start3A_105 = arith.constant 0 : i32
    %dma_start3A_106 = tpu.memref_slice %arg6[%dma_start3A_102, %dma_start3A_103, %dma_start3A_104, %dma_start3A_105] : memref<2x8x64x64xf32, #tpu.memory_space<vmem>> -> memref<1x1x64x64xf32, #tpu.memory_space<vmem>>
    %dma_start3A_107 = tpu.memref_squeeze %dma_start3A_106 : memref<1x1x64x64xf32, #tpu.memory_space<vmem>> -> memref<64x64xf32, #tpu.memory_space<vmem>>
    %dma_start3A_108 = arith.constant 0 : i32
    %dma_start3A_109 = tpu.memref_slice %arg5[%dma_start3A_100, %dma_start3A_101, %dma_start3A_108] : memref<200x2x64xi32, #tpu.memory_space<vmem>> -> memref<1x1x64xi32, #tpu.memory_space<vmem>>
    %dma_start3A_110 = tpu.memref_squeeze %dma_start3A_109 : memref<1x1x64xi32, #tpu.memory_space<vmem>> -> memref<64xi32, #tpu.memory_space<vmem>>
    %dma_start3A_111 = arith.constant 0 : i32
    %dma_start3A_112 = arith.constant 0 : i32
    %dma_start3A_113 = tpu.memref_slice %arg3[%dma_start3A_111, %dma_start3A_112] : memref<8192x64xf32, #tpu.memory_space<hbm>> -> memref<8192x64xf32, #tpu.memory_space<hbm>>
    tpu.enqueue_indirect_dma source(%dma_start3A_113 : memref<8192x64xf32, #tpu.memory_space<hbm>>) target(%dma_start3A_107 : memref<64x64xf32, #tpu.memory_space<vmem>>) offsets(%dma_start3A_110 : memref<64xi32, #tpu.memory_space<vmem>>) semaphore(%arg10 : memref<!tpu.dma_semaphore, #tpu.memory_space<semaphore_mem>>)
    %dma_start3A_114 = arith.constant 4 : i32
    %dma_start3A_115 = arith.constant 0 : i32
    %dma_start3A_116 = arith.constant 0 : i32
    %dma_start3A_117 = arith.constant 4 : i32
    %dma_start3A_118 = arith.constant 0 : i32
    %dma_start3A_119 = arith.constant 0 : i32
    %dma_start3A_120 = tpu.memref_slice %arg6[%dma_start3A_116, %dma_start3A_117, %dma_start3A_118, %dma_start3A_119] : memref<2x8x64x64xf32, #tpu.memory_space<vmem>> -> memref<1x1x64x64xf32, #tpu.memory_space<vmem>>
    %dma_start3A_121 = tpu.memref_squeeze %dma_start3A_120 : memref<1x1x64x64xf32, #tpu.memory_space<vmem>> -> memref<64x64xf32, #tpu.memory_space<vmem>>
    %dma_start3A_122 = arith.constant 0 : i32
    %dma_start3A_123 = tpu.memref_slice %arg5[%dma_start3A_114, %dma_start3A_115, %dma_start3A_122] : memref<200x2x64xi32, #tpu.memory_space<vmem>> -> memref<1x1x64xi32, #tpu.memory_space<vmem>>
    %dma_start3A_124 = tpu.memref_squeeze %dma_start3A_123 : memref<1x1x64xi32, #tpu.memory_space<vmem>> -> memref<64xi32, #tpu.memory_space<vmem>>
    %dma_start3A_125 = arith.constant 0 : i32
    %dma_start3A_126 = arith.constant 0 : i32
    %dma_start3A_127 = tpu.memref_slice %arg3[%dma_start3A_125, %dma_start3A_126] : memref<8192x64xf32, #tpu.memory_space<hbm>> -> memref<8192x64xf32, #tpu.memory_space<hbm>>
    tpu.enqueue_indirect_dma source(%dma_start3A_127 : memref<8192x64xf32, #tpu.memory_space<hbm>>) target(%dma_start3A_121 : memref<64x64xf32, #tpu.memory_space<vmem>>) offsets(%dma_start3A_124 : memref<64xi32, #tpu.memory_space<vmem>>) semaphore(%arg11 : memref<!tpu.dma_semaphore, #tpu.memory_space<semaphore_mem>>)
    %dma_start3A_128 = arith.constant 4 : i32
    %dma_start3A_129 = arith.constant 1 : i32
    %dma_start3A_130 = arith.constant 1 : i32
    %dma_start3A_131 = arith.constant 4 : i32
    %dma_start3A_132 = arith.constant 0 : i32
    %dma_start3A_133 = arith.constant 0 : i32
    %dma_start3A_134 = tpu.memref_slice %arg6[%dma_start3A_130, %dma_start3A_131, %dma_start3A_132, %dma_start3A_133] : memref<2x8x64x64xf32, #tpu.memory_space<vmem>> -> memref<1x1x64x64xf32, #tpu.memory_space<vmem>>
    %dma_start3A_135 = tpu.memref_squeeze %dma_start3A_134 : memref<1x1x64x64xf32, #tpu.memory_space<vmem>> -> memref<64x64xf32, #tpu.memory_space<vmem>>
    %dma_start3A_136 = arith.constant 0 : i32
    %dma_start3A_137 = tpu.memref_slice %arg5[%dma_start3A_128, %dma_start3A_129, %dma_start3A_136] : memref<200x2x64xi32, #tpu.memory_space<vmem>> -> memref<1x1x64xi32, #tpu.memory_space<vmem>>
    %dma_start3A_138 = tpu.memref_squeeze %dma_start3A_137 : memref<1x1x64xi32, #tpu.memory_space<vmem>> -> memref<64xi32, #tpu.memory_space<vmem>>
    %dma_start3A_139 = arith.constant 0 : i32
    %dma_start3A_140 = arith.constant 0 : i32
    %dma_start3A_141 = tpu.memref_slice %arg3[%dma_start3A_139, %dma_start3A_140] : memref<8192x64xf32, #tpu.memory_space<hbm>> -> memref<8192x64xf32, #tpu.memory_space<hbm>>
    tpu.enqueue_indirect_dma source(%dma_start3A_141 : memref<8192x64xf32, #tpu.memory_space<hbm>>) target(%dma_start3A_135 : memref<64x64xf32, #tpu.memory_space<vmem>>) offsets(%dma_start3A_138 : memref<64xi32, #tpu.memory_space<vmem>>) semaphore(%arg11 : memref<!tpu.dma_semaphore, #tpu.memory_space<semaphore_mem>>)
    %dma_start3A_142 = arith.constant 5 : i32
    %dma_start3A_143 = arith.constant 0 : i32
    %dma_start3A_144 = arith.constant 0 : i32
    %dma_start3A_145 = arith.constant 5 : i32
    %dma_start3A_146 = arith.constant 0 : i32
    %dma_start3A_147 = arith.constant 0 : i32
    %dma_start3A_148 = tpu.memref_slice %arg6[%dma_start3A_144, %dma_start3A_145, %dma_start3A_146, %dma_start3A_147] : memref<2x8x64x64xf32, #tpu.memory_space<vmem>> -> memref<1x1x64x64xf32, #tpu.memory_space<vmem>>
    %dma_start3A_149 = tpu.memref_squeeze %dma_start3A_148 : memref<1x1x64x64xf32, #tpu.memory_space<vmem>> -> memref<64x64xf32, #tpu.memory_space<vmem>>
    %dma_start3A_150 = arith.constant 0 : i32
    %dma_start3A_151 = tpu.memref_slice %arg5[%dma_start3A_142, %dma_start3A_143, %dma_start3A_150] : memref<200x2x64xi32, #tpu.memory_space<vmem>> -> memref<1x1x64xi32, #tpu.memory_space<vmem>>
    %dma_start3A_152 = tpu.memref_squeeze %dma_start3A_151 : memref<1x1x64xi32, #tpu.memory_space<vmem>> -> memref<64xi32, #tpu.memory_space<vmem>>
    %dma_start3A_153 = arith.constant 0 : i32
    %dma_start3A_154 = arith.constant 0 : i32
    %dma_start3A_155 = tpu.memref_slice %arg3[%dma_start3A_153, %dma_start3A_154] : memref<8192x64xf32, #tpu.memory_space<hbm>> -> memref<8192x64xf32, #tpu.memory_space<hbm>>
    tpu.enqueue_indirect_dma source(%dma_start3A_155 : memref<8192x64xf32, #tpu.memory_space<hbm>>) target(%dma_start3A_149 : memref<64x64xf32, #tpu.memory_space<vmem>>) offsets(%dma_start3A_152 : memref<64xi32, #tpu.memory_space<vmem>>) semaphore(%arg12 : memref<!tpu.dma_semaphore, #tpu.memory_space<semaphore_mem>>)
    %dma_start3A_156 = arith.constant 5 : i32
    %dma_start3A_157 = arith.constant 1 : i32
    %dma_start3A_158 = arith.constant 1 : i32
    %dma_start3A_159 = arith.constant 5 : i32
    %dma_start3A_160 = arith.constant 0 : i32
    %dma_start3A_161 = arith.constant 0 : i32
    %dma_start3A_162 = tpu.memref_slice %arg6[%dma_start3A_158, %dma_start3A_159, %dma_start3A_160, %dma_start3A_161] : memref<2x8x64x64xf32, #tpu.memory_space<vmem>> -> memref<1x1x64x64xf32, #tpu.memory_space<vmem>>
    %dma_start3A_163 = tpu.memref_squeeze %dma_start3A_162 : memref<1x1x64x64xf32, #tpu.memory_space<vmem>> -> memref<64x64xf32, #tpu.memory_space<vmem>>
    %dma_start3A_164 = arith.constant 0 : i32
    %dma_start3A_165 = tpu.memref_slice %arg5[%dma_start3A_156, %dma_start3A_157, %dma_start3A_164] : memref<200x2x64xi32, #tpu.memory_space<vmem>> -> memref<1x1x64xi32, #tpu.memory_space<vmem>>
    %dma_start3A_166 = tpu.memref_squeeze %dma_start3A_165 : memref<1x1x64xi32, #tpu.memory_space<vmem>> -> memref<64xi32, #tpu.memory_space<vmem>>
    %dma_start3A_167 = arith.constant 0 : i32
    %dma_start3A_168 = arith.constant 0 : i32
    %dma_start3A_169 = tpu.memref_slice %arg3[%dma_start3A_167, %dma_start3A_168] : memref<8192x64xf32, #tpu.memory_space<hbm>> -> memref<8192x64xf32, #tpu.memory_space<hbm>>
    tpu.enqueue_indirect_dma source(%dma_start3A_169 : memref<8192x64xf32, #tpu.memory_space<hbm>>) target(%dma_start3A_163 : memref<64x64xf32, #tpu.memory_space<vmem>>) offsets(%dma_start3A_166 : memref<64xi32, #tpu.memory_space<vmem>>) semaphore(%arg12 : memref<!tpu.dma_semaphore, #tpu.memory_space<semaphore_mem>>)
    %dma_start3A_170 = arith.constant 6 : i32
    %dma_start3A_171 = arith.constant 0 : i32
    %dma_start3A_172 = arith.constant 0 : i32
    %dma_start3A_173 = arith.constant 6 : i32
    %dma_start3A_174 = arith.constant 0 : i32
    %dma_start3A_175 = arith.constant 0 : i32
    %dma_start3A_176 = tpu.memref_slice %arg6[%dma_start3A_172, %dma_start3A_173, %dma_start3A_174, %dma_start3A_175] : memref<2x8x64x64xf32, #tpu.memory_space<vmem>> -> memref<1x1x64x64xf32, #tpu.memory_space<vmem>>
    %dma_start3A_177 = tpu.memref_squeeze %dma_start3A_176 : memref<1x1x64x64xf32, #tpu.memory_space<vmem>> -> memref<64x64xf32, #tpu.memory_space<vmem>>
    %dma_start3A_178 = arith.constant 0 : i32
    %dma_start3A_179 = tpu.memref_slice %arg5[%dma_start3A_170, %dma_start3A_171, %dma_start3A_178] : memref<200x2x64xi32, #tpu.memory_space<vmem>> -> memref<1x1x64xi32, #tpu.memory_space<vmem>>
    %dma_start3A_180 = tpu.memref_squeeze %dma_start3A_179 : memref<1x1x64xi32, #tpu.memory_space<vmem>> -> memref<64xi32, #tpu.memory_space<vmem>>
    %dma_start3A_181 = arith.constant 0 : i32
    %dma_start3A_182 = arith.constant 0 : i32
    %dma_start3A_183 = tpu.memref_slice %arg3[%dma_start3A_181, %dma_start3A_182] : memref<8192x64xf32, #tpu.memory_space<hbm>> -> memref<8192x64xf32, #tpu.memory_space<hbm>>
    tpu.enqueue_indirect_dma source(%dma_start3A_183 : memref<8192x64xf32, #tpu.memory_space<hbm>>) target(%dma_start3A_177 : memref<64x64xf32, #tpu.memory_space<vmem>>) offsets(%dma_start3A_180 : memref<64xi32, #tpu.memory_space<vmem>>) semaphore(%arg13 : memref<!tpu.dma_semaphore, #tpu.memory_space<semaphore_mem>>)
    %dma_start3A_184 = arith.constant 6 : i32
    %dma_start3A_185 = arith.constant 1 : i32
    %dma_start3A_186 = arith.constant 1 : i32
    %dma_start3A_187 = arith.constant 6 : i32
    %dma_start3A_188 = arith.constant 0 : i32
    %dma_start3A_189 = arith.constant 0 : i32
    %dma_start3A_190 = tpu.memref_slice %arg6[%dma_start3A_186, %dma_start3A_187, %dma_start3A_188, %dma_start3A_189] : memref<2x8x64x64xf32, #tpu.memory_space<vmem>> -> memref<1x1x64x64xf32, #tpu.memory_space<vmem>>
    %dma_start3A_191 = tpu.memref_squeeze %dma_start3A_190 : memref<1x1x64x64xf32, #tpu.memory_space<vmem>> -> memref<64x64xf32, #tpu.memory_space<vmem>>
    %dma_start3A_192 = arith.constant 0 : i32
    %dma_start3A_193 = tpu.memref_slice %arg5[%dma_start3A_184, %dma_start3A_185, %dma_start3A_192] : memref<200x2x64xi32, #tpu.memory_space<vmem>> -> memref<1x1x64xi32, #tpu.memory_space<vmem>>
    %dma_start3A_194 = tpu.memref_squeeze %dma_start3A_193 : memref<1x1x64xi32, #tpu.memory_space<vmem>> -> memref<64xi32, #tpu.memory_space<vmem>>
    %dma_start3A_195 = arith.constant 0 : i32
    %dma_start3A_196 = arith.constant 0 : i32
    %dma_start3A_197 = tpu.memref_slice %arg3[%dma_start3A_195, %dma_start3A_196] : memref<8192x64xf32, #tpu.memory_space<hbm>> -> memref<8192x64xf32, #tpu.memory_space<hbm>>
    tpu.enqueue_indirect_dma source(%dma_start3A_197 : memref<8192x64xf32, #tpu.memory_space<hbm>>) target(%dma_start3A_191 : memref<64x64xf32, #tpu.memory_space<vmem>>) offsets(%dma_start3A_194 : memref<64xi32, #tpu.memory_space<vmem>>) semaphore(%arg13 : memref<!tpu.dma_semaphore, #tpu.memory_space<semaphore_mem>>)
    %dma_start3A_198 = arith.constant 7 : i32
    %dma_start3A_199 = arith.constant 0 : i32
    %dma_start3A_200 = arith.constant 0 : i32
    %dma_start3A_201 = arith.constant 7 : i32
    %dma_start3A_202 = arith.constant 0 : i32
    %dma_start3A_203 = arith.constant 0 : i32
    %dma_start3A_204 = tpu.memref_slice %arg6[%dma_start3A_200, %dma_start3A_201, %dma_start3A_202, %dma_start3A_203] : memref<2x8x64x64xf32, #tpu.memory_space<vmem>> -> memref<1x1x64x64xf32, #tpu.memory_space<vmem>>
    %dma_start3A_205 = tpu.memref_squeeze %dma_start3A_204 : memref<1x1x64x64xf32, #tpu.memory_space<vmem>> -> memref<64x64xf32, #tpu.memory_space<vmem>>
    %dma_start3A_206 = arith.constant 0 : i32
    %dma_start3A_207 = tpu.memref_slice %arg5[%dma_start3A_198, %dma_start3A_199, %dma_start3A_206] : memref<200x2x64xi32, #tpu.memory_space<vmem>> -> memref<1x1x64xi32, #tpu.memory_space<vmem>>
    %dma_start3A_208 = tpu.memref_squeeze %dma_start3A_207 : memref<1x1x64xi32, #tpu.memory_space<vmem>> -> memref<64xi32, #tpu.memory_space<vmem>>
    %dma_start3A_209 = arith.constant 0 : i32
    %dma_start3A_210 = arith.constant 0 : i32
    %dma_start3A_211 = tpu.memref_slice %arg3[%dma_start3A_209, %dma_start3A_210] : memref<8192x64xf32, #tpu.memory_space<hbm>> -> memref<8192x64xf32, #tpu.memory_space<hbm>>
    tpu.enqueue_indirect_dma source(%dma_start3A_211 : memref<8192x64xf32, #tpu.memory_space<hbm>>) target(%dma_start3A_205 : memref<64x64xf32, #tpu.memory_space<vmem>>) offsets(%dma_start3A_208 : memref<64xi32, #tpu.memory_space<vmem>>) semaphore(%arg14 : memref<!tpu.dma_semaphore, #tpu.memory_space<semaphore_mem>>)
    %dma_start3A_212 = arith.constant 7 : i32
    %dma_start3A_213 = arith.constant 1 : i32
    %dma_start3A_214 = arith.constant 1 : i32
    %dma_start3A_215 = arith.constant 7 : i32
    %dma_start3A_216 = arith.constant 0 : i32
    %dma_start3A_217 = arith.constant 0 : i32
    %dma_start3A_218 = tpu.memref_slice %arg6[%dma_start3A_214, %dma_start3A_215, %dma_start3A_216, %dma_start3A_217] : memref<2x8x64x64xf32, #tpu.memory_space<vmem>> -> memref<1x1x64x64xf32, #tpu.memory_space<vmem>>
    %dma_start3A_219 = tpu.memref_squeeze %dma_start3A_218 : memref<1x1x64x64xf32, #tpu.memory_space<vmem>> -> memref<64x64xf32, #tpu.memory_space<vmem>>
    %dma_start3A_220 = arith.constant 0 : i32
    %dma_start3A_221 = tpu.memref_slice %arg5[%dma_start3A_212, %dma_start3A_213, %dma_start3A_220] : memref<200x2x64xi32, #tpu.memory_space<vmem>> -> memref<1x1x64xi32, #tpu.memory_space<vmem>>
    %dma_start3A_222 = tpu.memref_squeeze %dma_start3A_221 : memref<1x1x64xi32, #tpu.memory_space<vmem>> -> memref<64xi32, #tpu.memory_space<vmem>>
    %dma_start3A_223 = arith.constant 0 : i32
    %dma_start3A_224 = arith.constant 0 : i32
    %dma_start3A_225 = tpu.memref_slice %arg3[%dma_start3A_223, %dma_start3A_224] : memref<8192x64xf32, #tpu.memory_space<hbm>> -> memref<8192x64xf32, #tpu.memory_space<hbm>>
    tpu.enqueue_indirect_dma source(%dma_start3A_225 : memref<8192x64xf32, #tpu.memory_space<hbm>>) target(%dma_start3A_219 : memref<64x64xf32, #tpu.memory_space<vmem>>) offsets(%dma_start3A_222 : memref<64xi32, #tpu.memory_space<vmem>>) semaphore(%arg14 : memref<!tpu.dma_semaphore, #tpu.memory_space<semaphore_mem>>)
    %scan3A = arith.constant 0 : i32
    %scan3A_226 = arith.constant 0 : i32
    %scan3A_227 = arith.constant 25 : i32
    %scan3A_228 = arith.addi %scan3A_226, %scan3A_227 : i32
    %scan3A_229 = arith.constant 1 : i32
    scf.for %scan3A_231 = %scan3A_226 to %scan3A_228 step %scan3A_229  : i32 {
      %mul3A_232 = arith.constant 8 : i32
      %mul3A_233 = arith.muli %scan3A_231, %mul3A_232 : i32
      %dma_wait3A = arith.constant 0 : i32
      %dma_wait3A_234 = arith.constant 0 : i32
      %dma_wait3A_235 = arith.constant 0 : i32
      %dma_wait3A_236 = arith.constant 0 : i32
      %dma_wait3A_237 = arith.constant 0 : i32
      %dma_wait3A_238 = arith.constant 0 : i32
      %dma_wait3A_239 = tpu.memref_slice %arg6[%dma_wait3A_235, %dma_wait3A_236, %dma_wait3A_237, %dma_wait3A_238] : memref<2x8x64x64xf32, #tpu.memory_space<vmem>> -> memref<1x1x64x64xf32, #tpu.memory_space<vmem>>
      %dma_wait3A_240 = tpu.memref_squeeze %dma_wait3A_239 : memref<1x1x64x64xf32, #tpu.memory_space<vmem>> -> memref<64x64xf32, #tpu.memory_space<vmem>>
      %dma_wait3A_241 = arith.constant 0 : i32
      %dma_wait3A_242 = tpu.memref_slice %arg5[%dma_wait3A, %dma_wait3A_234, %dma_wait3A_241] : memref<200x2x64xi32, #tpu.memory_space<vmem>> -> memref<1x1x64xi32, #tpu.memory_space<vmem>>
      %dma_wait3A_243 = tpu.memref_squeeze %dma_wait3A_242 : memref<1x1x64xi32, #tpu.memory_space<vmem>> -> memref<64xi32, #tpu.memory_space<vmem>>
      %dma_wait3A_244 = arith.constant 0 : i32
      %dma_wait3A_245 = arith.constant 0 : i32
      %dma_wait3A_246 = tpu.memref_slice %arg3[%dma_wait3A_244, %dma_wait3A_245] : memref<8192x64xf32, #tpu.memory_space<hbm>> -> memref<8192x64xf32, #tpu.memory_space<hbm>>
      tpu.wait_indirect_dma semaphore(%arg7 : memref<!tpu.dma_semaphore, #tpu.memory_space<semaphore_mem>>) src(%dma_wait3A_246 : memref<8192x64xf32, #tpu.memory_space<hbm>>) dst(%dma_wait3A_240 : memref<64x64xf32, #tpu.memory_space<vmem>>)
      %dma_wait3A_247 = arith.constant 0 : i32
      %dma_wait3A_248 = arith.constant 0 : i32
      %dma_wait3A_249 = arith.constant 1 : i32
      %dma_wait3A_250 = arith.constant 0 : i32
      %dma_wait3A_251 = arith.constant 0 : i32
      %dma_wait3A_252 = arith.constant 0 : i32
      %dma_wait3A_253 = tpu.memref_slice %arg6[%dma_wait3A_249, %dma_wait3A_250, %dma_wait3A_251, %dma_wait3A_252] : memref<2x8x64x64xf32, #tpu.memory_space<vmem>> -> memref<1x1x64x64xf32, #tpu.memory_space<vmem>>
      %dma_wait3A_254 = tpu.memref_squeeze %dma_wait3A_253 : memref<1x1x64x64xf32, #tpu.memory_space<vmem>> -> memref<64x64xf32, #tpu.memory_space<vmem>>
      %dma_wait3A_255 = arith.constant 0 : i32
      %dma_wait3A_256 = tpu.memref_slice %arg5[%dma_wait3A_247, %dma_wait3A_248, %dma_wait3A_255] : memref<200x2x64xi32, #tpu.memory_space<vmem>> -> memref<1x1x64xi32, #tpu.memory_space<vmem>>
      %dma_wait3A_257 = tpu.memref_squeeze %dma_wait3A_256 : memref<1x1x64xi32, #tpu.memory_space<vmem>> -> memref<64xi32, #tpu.memory_space<vmem>>
      %dma_wait3A_258 = arith.constant 0 : i32
      %dma_wait3A_259 = arith.constant 0 : i32
      %dma_wait3A_260 = tpu.memref_slice %arg3[%dma_wait3A_258, %dma_wait3A_259] : memref<8192x64xf32, #tpu.memory_space<hbm>> -> memref<8192x64xf32, #tpu.memory_space<hbm>>
      tpu.wait_indirect_dma semaphore(%arg7 : memref<!tpu.dma_semaphore, #tpu.memory_space<semaphore_mem>>) src(%dma_wait3A_260 : memref<8192x64xf32, #tpu.memory_space<hbm>>) dst(%dma_wait3A_254 : memref<64x64xf32, #tpu.memory_space<vmem>>)
      %add3A_261 = arith.constant 0 : i32
      %add3A_262 = arith.addi %mul3A_233, %add3A_261 : i32
      %mul3A_263 = arith.constant 64 : i32
      %mul3A_264 = arith.muli %add3A_262, %mul3A_263 : i32
      %add3A_265 = arith.addi %mul3A_2, %mul3A_264 : i32
      %dma_start3A_266 = arith.constant 0 : i32
      %dma_start3A_267 = arith.constant 0 : i32
      %dma_start3A_268 = arith.constant 0 : i32
      %dma_start3A_269 = arith.constant 0 : i32
      %dma_start3A_270 = tpu.memref_slice %arg6[%dma_start3A_266, %dma_start3A_267, %dma_start3A_268, %dma_start3A_269] : memref<2x8x64x64xf32, #tpu.memory_space<vmem>> -> memref<1x1x64x64xf32, #tpu.memory_space<vmem>>
      %dma_start3A_271 = tpu.memref_squeeze %dma_start3A_270 : memref<1x1x64x64xf32, #tpu.memory_space<vmem>> -> memref<64x64xf32, #tpu.memory_space<vmem>>
      %dma_start3A_272 = arith.constant 0 : i32
      %dma_start3A_273 = tpu.memref_slice %arg4[%add3A_265, %dma_start3A_272] : memref<409600x128xf32, #tpu.memory_space<hbm>> -> memref<64x64xf32, #tpu.memory_space<hbm>>
      %dma_start3A_274 = arith.constant 0 : i32
      %dma_start3A_275 = tpu.memref_slice %arg4[%add3A_265, %dma_start3A_274] : memref<409600x128xf32, #tpu.memory_space<hbm>> -> memref<64x64xf32, #tpu.memory_space<hbm>>
      %dma_start3A_276 = arith.constant 0 : i32
      %dma_start3A_277 = arith.constant 0 : i32
      %dma_start3A_278 = tpu.memref_slice %arg6[%dma_start3A_266, %dma_start3A_267, %dma_start3A_276, %dma_start3A_277] : memref<2x8x64x64xf32, #tpu.memory_space<vmem>> -> memref<1x1x64x64xf32, #tpu.memory_space<vmem>>
      %dma_start3A_279 = tpu.memref_squeeze %dma_start3A_278 : memref<1x1x64x64xf32, #tpu.memory_space<vmem>> -> memref<64x64xf32, #tpu.memory_space<vmem>>
      tpu.enqueue_dma source(%dma_start3A_279 : memref<64x64xf32, #tpu.memory_space<vmem>>) target(%dma_start3A_275 : memref<64x64xf32, #tpu.memory_space<hbm>>) target_semaphore(%arg15 : memref<!tpu.dma_semaphore, #tpu.memory_space<semaphore_mem>>)
      %dma_start3A_280 = arith.constant 1 : i32
      %dma_start3A_281 = arith.constant 0 : i32
      %dma_start3A_282 = arith.constant 0 : i32
      %dma_start3A_283 = arith.constant 0 : i32
      %dma_start3A_284 = tpu.memref_slice %arg6[%dma_start3A_280, %dma_start3A_281, %dma_start3A_282, %dma_start3A_283] : memref<2x8x64x64xf32, #tpu.memory_space<vmem>> -> memref<1x1x64x64xf32, #tpu.memory_space<vmem>>
      %dma_start3A_285 = tpu.memref_squeeze %dma_start3A_284 : memref<1x1x64x64xf32, #tpu.memory_space<vmem>> -> memref<64x64xf32, #tpu.memory_space<vmem>>
      %dma_start3A_286 = arith.constant 64 : i32
      %dma_start3A_287 = tpu.memref_slice %arg4[%add3A_265, %dma_start3A_286] : memref<409600x128xf32, #tpu.memory_space<hbm>> -> memref<64x64xf32, #tpu.memory_space<hbm>>
      %dma_start3A_288 = arith.constant 64 : i32
      %dma_start3A_289 = tpu.memref_slice %arg4[%add3A_265, %dma_start3A_288] : memref<409600x128xf32, #tpu.memory_space<hbm>> -> memref<64x64xf32, #tpu.memory_space<hbm>>
      %dma_start3A_290 = arith.constant 0 : i32
      %dma_start3A_291 = arith.constant 0 : i32
      %dma_start3A_292 = tpu.memref_slice %arg6[%dma_start3A_280, %dma_start3A_281, %dma_start3A_290, %dma_start3A_291] : memref<2x8x64x64xf32, #tpu.memory_space<vmem>> -> memref<1x1x64x64xf32, #tpu.memory_space<vmem>>
      %dma_start3A_293 = tpu.memref_squeeze %dma_start3A_292 : memref<1x1x64x64xf32, #tpu.memory_space<vmem>> -> memref<64x64xf32, #tpu.memory_space<vmem>>
      tpu.enqueue_dma source(%dma_start3A_293 : memref<64x64xf32, #tpu.memory_space<vmem>>) target(%dma_start3A_289 : memref<64x64xf32, #tpu.memory_space<hbm>>) target_semaphore(%arg15 : memref<!tpu.dma_semaphore, #tpu.memory_space<semaphore_mem>>)
      %dma_wait3A_294 = arith.constant 0 : i32
      %dma_wait3A_295 = arith.constant 0 : i32
      %dma_wait3A_296 = arith.constant 0 : i32
      %dma_wait3A_297 = arith.constant 1 : i32
      %dma_wait3A_298 = arith.constant 0 : i32
      %dma_wait3A_299 = arith.constant 0 : i32
      %dma_wait3A_300 = tpu.memref_slice %arg6[%dma_wait3A_296, %dma_wait3A_297, %dma_wait3A_298, %dma_wait3A_299] : memref<2x8x64x64xf32, #tpu.memory_space<vmem>> -> memref<1x1x64x64xf32, #tpu.memory_space<vmem>>
      %dma_wait3A_301 = tpu.memref_squeeze %dma_wait3A_300 : memref<1x1x64x64xf32, #tpu.memory_space<vmem>> -> memref<64x64xf32, #tpu.memory_space<vmem>>
      %dma_wait3A_302 = arith.constant 0 : i32
      %dma_wait3A_303 = tpu.memref_slice %arg5[%dma_wait3A_294, %dma_wait3A_295, %dma_wait3A_302] : memref<200x2x64xi32, #tpu.memory_space<vmem>> -> memref<1x1x64xi32, #tpu.memory_space<vmem>>
      %dma_wait3A_304 = tpu.memref_squeeze %dma_wait3A_303 : memref<1x1x64xi32, #tpu.memory_space<vmem>> -> memref<64xi32, #tpu.memory_space<vmem>>
      %dma_wait3A_305 = arith.constant 0 : i32
      %dma_wait3A_306 = arith.constant 0 : i32
      %dma_wait3A_307 = tpu.memref_slice %arg3[%dma_wait3A_305, %dma_wait3A_306] : memref<8192x64xf32, #tpu.memory_space<hbm>> -> memref<8192x64xf32, #tpu.memory_space<hbm>>
      tpu.wait_indirect_dma semaphore(%arg8 : memref<!tpu.dma_semaphore, #tpu.memory_space<semaphore_mem>>) src(%dma_wait3A_307 : memref<8192x64xf32, #tpu.memory_space<hbm>>) dst(%dma_wait3A_301 : memref<64x64xf32, #tpu.memory_space<vmem>>)
      %dma_wait3A_308 = arith.constant 0 : i32
      %dma_wait3A_309 = arith.constant 0 : i32
      %dma_wait3A_310 = arith.constant 1 : i32
      %dma_wait3A_311 = arith.constant 1 : i32
      %dma_wait3A_312 = arith.constant 0 : i32
      %dma_wait3A_313 = arith.constant 0 : i32
      %dma_wait3A_314 = tpu.memref_slice %arg6[%dma_wait3A_310, %dma_wait3A_311, %dma_wait3A_312, %dma_wait3A_313] : memref<2x8x64x64xf32, #tpu.memory_space<vmem>> -> memref<1x1x64x64xf32, #tpu.memory_space<vmem>>
      %dma_wait3A_315 = tpu.memref_squeeze %dma_wait3A_314 : memref<1x1x64x64xf32, #tpu.memory_space<vmem>> -> memref<64x64xf32, #tpu.memory_space<vmem>>
      %dma_wait3A_316 = arith.constant 0 : i32
      %dma_wait3A_317 = tpu.memref_slice %arg5[%dma_wait3A_308, %dma_wait3A_309, %dma_wait3A_316] : memref<200x2x64xi32, #tpu.memory_space<vmem>> -> memref<1x1x64xi32, #tpu.memory_space<vmem>>
      %dma_wait3A_318 = tpu.memref_squeeze %dma_wait3A_317 : memref<1x1x64xi32, #tpu.memory_space<vmem>> -> memref<64xi32, #tpu.memory_space<vmem>>
      %dma_wait3A_319 = arith.constant 0 : i32
      %dma_wait3A_320 = arith.constant 0 : i32
      %dma_wait3A_321 = tpu.memref_slice %arg3[%dma_wait3A_319, %dma_wait3A_320] : memref<8192x64xf32, #tpu.memory_space<hbm>> -> memref<8192x64xf32, #tpu.memory_space<hbm>>
      tpu.wait_indirect_dma semaphore(%arg8 : memref<!tpu.dma_semaphore, #tpu.memory_space<semaphore_mem>>) src(%dma_wait3A_321 : memref<8192x64xf32, #tpu.memory_space<hbm>>) dst(%dma_wait3A_315 : memref<64x64xf32, #tpu.memory_space<vmem>>)
      %add3A_322 = arith.constant 1 : i32
      %add3A_323 = arith.addi %mul3A_233, %add3A_322 : i32
      %mul3A_324 = arith.constant 64 : i32
      %mul3A_325 = arith.muli %add3A_323, %mul3A_324 : i32
      %add3A_326 = arith.addi %mul3A_2, %mul3A_325 : i32
      %dma_start3A_327 = arith.constant 0 : i32
      %dma_start3A_328 = arith.constant 1 : i32
      %dma_start3A_329 = arith.constant 0 : i32
      %dma_start3A_330 = arith.constant 0 : i32
      %dma_start3A_331 = tpu.memref_slice %arg6[%dma_start3A_327, %dma_start3A_328, %dma_start3A_329, %dma_start3A_330] : memref<2x8x64x64xf32, #tpu.memory_space<vmem>> -> memref<1x1x64x64xf32, #tpu.memory_space<vmem>>
      %dma_start3A_332 = tpu.memref_squeeze %dma_start3A_331 : memref<1x1x64x64xf32, #tpu.memory_space<vmem>> -> memref<64x64xf32, #tpu.memory_space<vmem>>
      %dma_start3A_333 = arith.constant 0 : i32
      %dma_start3A_334 = tpu.memref_slice %arg4[%add3A_326, %dma_start3A_333] : memref<409600x128xf32, #tpu.memory_space<hbm>> -> memref<64x64xf32, #tpu.memory_space<hbm>>
      %dma_start3A_335 = arith.constant 0 : i32
      %dma_start3A_336 = tpu.memref_slice %arg4[%add3A_326, %dma_start3A_335] : memref<409600x128xf32, #tpu.memory_space<hbm>> -> memref<64x64xf32, #tpu.memory_space<hbm>>
      %dma_start3A_337 = arith.constant 0 : i32
      %dma_start3A_338 = arith.constant 0 : i32
      %dma_start3A_339 = tpu.memref_slice %arg6[%dma_start3A_327, %dma_start3A_328, %dma_start3A_337, %dma_start3A_338] : memref<2x8x64x64xf32, #tpu.memory_space<vmem>> -> memref<1x1x64x64xf32, #tpu.memory_space<vmem>>
      %dma_start3A_340 = tpu.memref_squeeze %dma_start3A_339 : memref<1x1x64x64xf32, #tpu.memory_space<vmem>> -> memref<64x64xf32, #tpu.memory_space<vmem>>
      tpu.enqueue_dma source(%dma_start3A_340 : memref<64x64xf32, #tpu.memory_space<vmem>>) target(%dma_start3A_336 : memref<64x64xf32, #tpu.memory_space<hbm>>) target_semaphore(%arg16 : memref<!tpu.dma_semaphore, #tpu.memory_space<semaphore_mem>>)
      %dma_start3A_341 = arith.constant 1 : i32
      %dma_start3A_342 = arith.constant 1 : i32
      %dma_start3A_343 = arith.constant 0 : i32
      %dma_start3A_344 = arith.constant 0 : i32
      %dma_start3A_345 = tpu.memref_slice %arg6[%dma_start3A_341, %dma_start3A_342, %dma_start3A_343, %dma_start3A_344] : memref<2x8x64x64xf32, #tpu.memory_space<vmem>> -> memref<1x1x64x64xf32, #tpu.memory_space<vmem>>
      %dma_start3A_346 = tpu.memref_squeeze %dma_start3A_345 : memref<1x1x64x64xf32, #tpu.memory_space<vmem>> -> memref<64x64xf32, #tpu.memory_space<vmem>>
      %dma_start3A_347 = arith.constant 64 : i32
      %dma_start3A_348 = tpu.memref_slice %arg4[%add3A_326, %dma_start3A_347] : memref<409600x128xf32, #tpu.memory_space<hbm>> -> memref<64x64xf32, #tpu.memory_space<hbm>>
      %dma_start3A_349 = arith.constant 64 : i32
      %dma_start3A_350 = tpu.memref_slice %arg4[%add3A_326, %dma_start3A_349] : memref<409600x128xf32, #tpu.memory_space<hbm>> -> memref<64x64xf32, #tpu.memory_space<hbm>>
      %dma_start3A_351 = arith.constant 0 : i32
      %dma_start3A_352 = arith.constant 0 : i32
      %dma_start3A_353 = tpu.memref_slice %arg6[%dma_start3A_341, %dma_start3A_342, %dma_start3A_351, %dma_start3A_352] : memref<2x8x64x64xf32, #tpu.memory_space<vmem>> -> memref<1x1x64x64xf32, #tpu.memory_space<vmem>>
      %dma_start3A_354 = tpu.memref_squeeze %dma_start3A_353 : memref<1x1x64x64xf32, #tpu.memory_space<vmem>> -> memref<64x64xf32, #tpu.memory_space<vmem>>
      tpu.enqueue_dma source(%dma_start3A_354 : memref<64x64xf32, #tpu.memory_space<vmem>>) target(%dma_start3A_350 : memref<64x64xf32, #tpu.memory_space<hbm>>) target_semaphore(%arg16 : memref<!tpu.dma_semaphore, #tpu.memory_space<semaphore_mem>>)
      %dma_wait3A_355 = arith.constant 0 : i32
      %dma_wait3A_356 = arith.constant 0 : i32
      %dma_wait3A_357 = arith.constant 0 : i32
      %dma_wait3A_358 = arith.constant 2 : i32
      %dma_wait3A_359 = arith.constant 0 : i32
      %dma_wait3A_360 = arith.constant 0 : i32
      %dma_wait3A_361 = tpu.memref_slice %arg6[%dma_wait3A_357, %dma_wait3A_358, %dma_wait3A_359, %dma_wait3A_360] : memref<2x8x64x64xf32, #tpu.memory_space<vmem>> -> memref<1x1x64x64xf32, #tpu.memory_space<vmem>>
      %dma_wait3A_362 = tpu.memref_squeeze %dma_wait3A_361 : memref<1x1x64x64xf32, #tpu.memory_space<vmem>> -> memref<64x64xf32, #tpu.memory_space<vmem>>
      %dma_wait3A_363 = arith.constant 0 : i32
      %dma_wait3A_364 = tpu.memref_slice %arg5[%dma_wait3A_355, %dma_wait3A_356, %dma_wait3A_363] : memref<200x2x64xi32, #tpu.memory_space<vmem>> -> memref<1x1x64xi32, #tpu.memory_space<vmem>>
      %dma_wait3A_365 = tpu.memref_squeeze %dma_wait3A_364 : memref<1x1x64xi32, #tpu.memory_space<vmem>> -> memref<64xi32, #tpu.memory_space<vmem>>
      %dma_wait3A_366 = arith.constant 0 : i32
      %dma_wait3A_367 = arith.constant 0 : i32
      %dma_wait3A_368 = tpu.memref_slice %arg3[%dma_wait3A_366, %dma_wait3A_367] : memref<8192x64xf32, #tpu.memory_space<hbm>> -> memref<8192x64xf32, #tpu.memory_space<hbm>>
      tpu.wait_indirect_dma semaphore(%arg9 : memref<!tpu.dma_semaphore, #tpu.memory_space<semaphore_mem>>) src(%dma_wait3A_368 : memref<8192x64xf32, #tpu.memory_space<hbm>>) dst(%dma_wait3A_362 : memref<64x64xf32, #tpu.memory_space<vmem>>)
      %dma_wait3A_369 = arith.constant 0 : i32
      %dma_wait3A_370 = arith.constant 0 : i32
      %dma_wait3A_371 = arith.constant 1 : i32
      %dma_wait3A_372 = arith.constant 2 : i32
      %dma_wait3A_373 = arith.constant 0 : i32
      %dma_wait3A_374 = arith.constant 0 : i32
      %dma_wait3A_375 = tpu.memref_slice %arg6[%dma_wait3A_371, %dma_wait3A_372, %dma_wait3A_373, %dma_wait3A_374] : memref<2x8x64x64xf32, #tpu.memory_space<vmem>> -> memref<1x1x64x64xf32, #tpu.memory_space<vmem>>
      %dma_wait3A_376 = tpu.memref_squeeze %dma_wait3A_375 : memref<1x1x64x64xf32, #tpu.memory_space<vmem>> -> memref<64x64xf32, #tpu.memory_space<vmem>>
      %dma_wait3A_377 = arith.constant 0 : i32
      %dma_wait3A_378 = tpu.memref_slice %arg5[%dma_wait3A_369, %dma_wait3A_370, %dma_wait3A_377] : memref<200x2x64xi32, #tpu.memory_space<vmem>> -> memref<1x1x64xi32, #tpu.memory_space<vmem>>
      %dma_wait3A_379 = tpu.memref_squeeze %dma_wait3A_378 : memref<1x1x64xi32, #tpu.memory_space<vmem>> -> memref<64xi32, #tpu.memory_space<vmem>>
      %dma_wait3A_380 = arith.constant 0 : i32
      %dma_wait3A_381 = arith.constant 0 : i32
      %dma_wait3A_382 = tpu.memref_slice %arg3[%dma_wait3A_380, %dma_wait3A_381] : memref<8192x64xf32, #tpu.memory_space<hbm>> -> memref<8192x64xf32, #tpu.memory_space<hbm>>
      tpu.wait_indirect_dma semaphore(%arg9 : memref<!tpu.dma_semaphore, #tpu.memory_space<semaphore_mem>>) src(%dma_wait3A_382 : memref<8192x64xf32, #tpu.memory_space<hbm>>) dst(%dma_wait3A_376 : memref<64x64xf32, #tpu.memory_space<vmem>>)
      %add3A_383 = arith.constant 2 : i32
      %add3A_384 = arith.addi %mul3A_233, %add3A_383 : i32
      %mul3A_385 = arith.constant 64 : i32
      %mul3A_386 = arith.muli %add3A_384, %mul3A_385 : i32
      %add3A_387 = arith.addi %mul3A_2, %mul3A_386 : i32
      %dma_start3A_388 = arith.constant 0 : i32
      %dma_start3A_389 = arith.constant 2 : i32
      %dma_start3A_390 = arith.constant 0 : i32
      %dma_start3A_391 = arith.constant 0 : i32
      %dma_start3A_392 = tpu.memref_slice %arg6[%dma_start3A_388, %dma_start3A_389, %dma_start3A_390, %dma_start3A_391] : memref<2x8x64x64xf32, #tpu.memory_space<vmem>> -> memref<1x1x64x64xf32, #tpu.memory_space<vmem>>
      %dma_start3A_393 = tpu.memref_squeeze %dma_start3A_392 : memref<1x1x64x64xf32, #tpu.memory_space<vmem>> -> memref<64x64xf32, #tpu.memory_space<vmem>>
      %dma_start3A_394 = arith.constant 0 : i32
      %dma_start3A_395 = tpu.memref_slice %arg4[%add3A_387, %dma_start3A_394] : memref<409600x128xf32, #tpu.memory_space<hbm>> -> memref<64x64xf32, #tpu.memory_space<hbm>>
      %dma_start3A_396 = arith.constant 0 : i32
      %dma_start3A_397 = tpu.memref_slice %arg4[%add3A_387, %dma_start3A_396] : memref<409600x128xf32, #tpu.memory_space<hbm>> -> memref<64x64xf32, #tpu.memory_space<hbm>>
      %dma_start3A_398 = arith.constant 0 : i32
      %dma_start3A_399 = arith.constant 0 : i32
      %dma_start3A_400 = tpu.memref_slice %arg6[%dma_start3A_388, %dma_start3A_389, %dma_start3A_398, %dma_start3A_399] : memref<2x8x64x64xf32, #tpu.memory_space<vmem>> -> memref<1x1x64x64xf32, #tpu.memory_space<vmem>>
      %dma_start3A_401 = tpu.memref_squeeze %dma_start3A_400 : memref<1x1x64x64xf32, #tpu.memory_space<vmem>> -> memref<64x64xf32, #tpu.memory_space<vmem>>
      tpu.enqueue_dma source(%dma_start3A_401 : memref<64x64xf32, #tpu.memory_space<vmem>>) target(%dma_start3A_397 : memref<64x64xf32, #tpu.memory_space<hbm>>) target_semaphore(%arg17 : memref<!tpu.dma_semaphore, #tpu.memory_space<semaphore_mem>>)
      %dma_start3A_402 = arith.constant 1 : i32
      %dma_start3A_403 = arith.constant 2 : i32
      %dma_start3A_404 = arith.constant 0 : i32
      %dma_start3A_405 = arith.constant 0 : i32
      %dma_start3A_406 = tpu.memref_slice %arg6[%dma_start3A_402, %dma_start3A_403, %dma_start3A_404, %dma_start3A_405] : memref<2x8x64x64xf32, #tpu.memory_space<vmem>> -> memref<1x1x64x64xf32, #tpu.memory_space<vmem>>
      %dma_start3A_407 = tpu.memref_squeeze %dma_start3A_406 : memref<1x1x64x64xf32, #tpu.memory_space<vmem>> -> memref<64x64xf32, #tpu.memory_space<vmem>>
      %dma_start3A_408 = arith.constant 64 : i32
      %dma_start3A_409 = tpu.memref_slice %arg4[%add3A_387, %dma_start3A_408] : memref<409600x128xf32, #tpu.memory_space<hbm>> -> memref<64x64xf32, #tpu.memory_space<hbm>>
      %dma_start3A_410 = arith.constant 64 : i32
      %dma_start3A_411 = tpu.memref_slice %arg4[%add3A_387, %dma_start3A_410] : memref<409600x128xf32, #tpu.memory_space<hbm>> -> memref<64x64xf32, #tpu.memory_space<hbm>>
      %dma_start3A_412 = arith.constant 0 : i32
      %dma_start3A_413 = arith.constant 0 : i32
      %dma_start3A_414 = tpu.memref_slice %arg6[%dma_start3A_402, %dma_start3A_403, %dma_start3A_412, %dma_start3A_413] : memref<2x8x64x64xf32, #tpu.memory_space<vmem>> -> memref<1x1x64x64xf32, #tpu.memory_space<vmem>>
      %dma_start3A_415 = tpu.memref_squeeze %dma_start3A_414 : memref<1x1x64x64xf32, #tpu.memory_space<vmem>> -> memref<64x64xf32, #tpu.memory_space<vmem>>
      tpu.enqueue_dma source(%dma_start3A_415 : memref<64x64xf32, #tpu.memory_space<vmem>>) target(%dma_start3A_411 : memref<64x64xf32, #tpu.memory_space<hbm>>) target_semaphore(%arg17 : memref<!tpu.dma_semaphore, #tpu.memory_space<semaphore_mem>>)
      %dma_wait3A_416 = arith.constant 0 : i32
      %dma_wait3A_417 = arith.constant 0 : i32
      %dma_wait3A_418 = arith.constant 0 : i32
      %dma_wait3A_419 = arith.constant 3 : i32
      %dma_wait3A_420 = arith.constant 0 : i32
      %dma_wait3A_421 = arith.constant 0 : i32
      %dma_wait3A_422 = tpu.memref_slice %arg6[%dma_wait3A_418, %dma_wait3A_419, %dma_wait3A_420, %dma_wait3A_421] : memref<2x8x64x64xf32, #tpu.memory_space<vmem>> -> memref<1x1x64x64xf32, #tpu.memory_space<vmem>>
      %dma_wait3A_423 = tpu.memref_squeeze %dma_wait3A_422 : memref<1x1x64x64xf32, #tpu.memory_space<vmem>> -> memref<64x64xf32, #tpu.memory_space<vmem>>
      %dma_wait3A_424 = arith.constant 0 : i32
      %dma_wait3A_425 = tpu.memref_slice %arg5[%dma_wait3A_416, %dma_wait3A_417, %dma_wait3A_424] : memref<200x2x64xi32, #tpu.memory_space<vmem>> -> memref<1x1x64xi32, #tpu.memory_space<vmem>>
      %dma_wait3A_426 = tpu.memref_squeeze %dma_wait3A_425 : memref<1x1x64xi32, #tpu.memory_space<vmem>> -> memref<64xi32, #tpu.memory_space<vmem>>
      %dma_wait3A_427 = arith.constant 0 : i32
      %dma_wait3A_428 = arith.constant 0 : i32
      %dma_wait3A_429 = tpu.memref_slice %arg3[%dma_wait3A_427, %dma_wait3A_428] : memref<8192x64xf32, #tpu.memory_space<hbm>> -> memref<8192x64xf32, #tpu.memory_space<hbm>>
      tpu.wait_indirect_dma semaphore(%arg10 : memref<!tpu.dma_semaphore, #tpu.memory_space<semaphore_mem>>) src(%dma_wait3A_429 : memref<8192x64xf32, #tpu.memory_space<hbm>>) dst(%dma_wait3A_423 : memref<64x64xf32, #tpu.memory_space<vmem>>)
      %dma_wait3A_430 = arith.constant 0 : i32
      %dma_wait3A_431 = arith.constant 0 : i32
      %dma_wait3A_432 = arith.constant 1 : i32
      %dma_wait3A_433 = arith.constant 3 : i32
      %dma_wait3A_434 = arith.constant 0 : i32
      %dma_wait3A_435 = arith.constant 0 : i32
      %dma_wait3A_436 = tpu.memref_slice %arg6[%dma_wait3A_432, %dma_wait3A_433, %dma_wait3A_434, %dma_wait3A_435] : memref<2x8x64x64xf32, #tpu.memory_space<vmem>> -> memref<1x1x64x64xf32, #tpu.memory_space<vmem>>
      %dma_wait3A_437 = tpu.memref_squeeze %dma_wait3A_436 : memref<1x1x64x64xf32, #tpu.memory_space<vmem>> -> memref<64x64xf32, #tpu.memory_space<vmem>>
      %dma_wait3A_438 = arith.constant 0 : i32
      %dma_wait3A_439 = tpu.memref_slice %arg5[%dma_wait3A_430, %dma_wait3A_431, %dma_wait3A_438] : memref<200x2x64xi32, #tpu.memory_space<vmem>> -> memref<1x1x64xi32, #tpu.memory_space<vmem>>
      %dma_wait3A_440 = tpu.memref_squeeze %dma_wait3A_439 : memref<1x1x64xi32, #tpu.memory_space<vmem>> -> memref<64xi32, #tpu.memory_space<vmem>>
      %dma_wait3A_441 = arith.constant 0 : i32
      %dma_wait3A_442 = arith.constant 0 : i32
      %dma_wait3A_443 = tpu.memref_slice %arg3[%dma_wait3A_441, %dma_wait3A_442] : memref<8192x64xf32, #tpu.memory_space<hbm>> -> memref<8192x64xf32, #tpu.memory_space<hbm>>
      tpu.wait_indirect_dma semaphore(%arg10 : memref<!tpu.dma_semaphore, #tpu.memory_space<semaphore_mem>>) src(%dma_wait3A_443 : memref<8192x64xf32, #tpu.memory_space<hbm>>) dst(%dma_wait3A_437 : memref<64x64xf32, #tpu.memory_space<vmem>>)
      %add3A_444 = arith.constant 3 : i32
      %add3A_445 = arith.addi %mul3A_233, %add3A_444 : i32
      %mul3A_446 = arith.constant 64 : i32
      %mul3A_447 = arith.muli %add3A_445, %mul3A_446 : i32
      %add3A_448 = arith.addi %mul3A_2, %mul3A_447 : i32
      %dma_start3A_449 = arith.constant 0 : i32
      %dma_start3A_450 = arith.constant 3 : i32
      %dma_start3A_451 = arith.constant 0 : i32
      %dma_start3A_452 = arith.constant 0 : i32
      %dma_start3A_453 = tpu.memref_slice %arg6[%dma_start3A_449, %dma_start3A_450, %dma_start3A_451, %dma_start3A_452] : memref<2x8x64x64xf32, #tpu.memory_space<vmem>> -> memref<1x1x64x64xf32, #tpu.memory_space<vmem>>
      %dma_start3A_454 = tpu.memref_squeeze %dma_start3A_453 : memref<1x1x64x64xf32, #tpu.memory_space<vmem>> -> memref<64x64xf32, #tpu.memory_space<vmem>>
      %dma_start3A_455 = arith.constant 0 : i32
      %dma_start3A_456 = tpu.memref_slice %arg4[%add3A_448, %dma_start3A_455] : memref<409600x128xf32, #tpu.memory_space<hbm>> -> memref<64x64xf32, #tpu.memory_space<hbm>>
      %dma_start3A_457 = arith.constant 0 : i32
      %dma_start3A_458 = tpu.memref_slice %arg4[%add3A_448, %dma_start3A_457] : memref<409600x128xf32, #tpu.memory_space<hbm>> -> memref<64x64xf32, #tpu.memory_space<hbm>>
      %dma_start3A_459 = arith.constant 0 : i32
      %dma_start3A_460 = arith.constant 0 : i32
      %dma_start3A_461 = tpu.memref_slice %arg6[%dma_start3A_449, %dma_start3A_450, %dma_start3A_459, %dma_start3A_460] : memref<2x8x64x64xf32, #tpu.memory_space<vmem>> -> memref<1x1x64x64xf32, #tpu.memory_space<vmem>>
      %dma_start3A_462 = tpu.memref_squeeze %dma_start3A_461 : memref<1x1x64x64xf32, #tpu.memory_space<vmem>> -> memref<64x64xf32, #tpu.memory_space<vmem>>
      tpu.enqueue_dma source(%dma_start3A_462 : memref<64x64xf32, #tpu.memory_space<vmem>>) target(%dma_start3A_458 : memref<64x64xf32, #tpu.memory_space<hbm>>) target_semaphore(%arg18 : memref<!tpu.dma_semaphore, #tpu.memory_space<semaphore_mem>>)
      %dma_start3A_463 = arith.constant 1 : i32
      %dma_start3A_464 = arith.constant 3 : i32
      %dma_start3A_465 = arith.constant 0 : i32
      %dma_start3A_466 = arith.constant 0 : i32
      %dma_start3A_467 = tpu.memref_slice %arg6[%dma_start3A_463, %dma_start3A_464, %dma_start3A_465, %dma_start3A_466] : memref<2x8x64x64xf32, #tpu.memory_space<vmem>> -> memref<1x1x64x64xf32, #tpu.memory_space<vmem>>
      %dma_start3A_468 = tpu.memref_squeeze %dma_start3A_467 : memref<1x1x64x64xf32, #tpu.memory_space<vmem>> -> memref<64x64xf32, #tpu.memory_space<vmem>>
      %dma_start3A_469 = arith.constant 64 : i32
      %dma_start3A_470 = tpu.memref_slice %arg4[%add3A_448, %dma_start3A_469] : memref<409600x128xf32, #tpu.memory_space<hbm>> -> memref<64x64xf32, #tpu.memory_space<hbm>>
      %dma_start3A_471 = arith.constant 64 : i32
      %dma_start3A_472 = tpu.memref_slice %arg4[%add3A_448, %dma_start3A_471] : memref<409600x128xf32, #tpu.memory_space<hbm>> -> memref<64x64xf32, #tpu.memory_space<hbm>>
      %dma_start3A_473 = arith.constant 0 : i32
      %dma_start3A_474 = arith.constant 0 : i32
      %dma_start3A_475 = tpu.memref_slice %arg6[%dma_start3A_463, %dma_start3A_464, %dma_start3A_473, %dma_start3A_474] : memref<2x8x64x64xf32, #tpu.memory_space<vmem>> -> memref<1x1x64x64xf32, #tpu.memory_space<vmem>>
      %dma_start3A_476 = tpu.memref_squeeze %dma_start3A_475 : memref<1x1x64x64xf32, #tpu.memory_space<vmem>> -> memref<64x64xf32, #tpu.memory_space<vmem>>
      tpu.enqueue_dma source(%dma_start3A_476 : memref<64x64xf32, #tpu.memory_space<vmem>>) target(%dma_start3A_472 : memref<64x64xf32, #tpu.memory_space<hbm>>) target_semaphore(%arg18 : memref<!tpu.dma_semaphore, #tpu.memory_space<semaphore_mem>>)
      %dma_wait3A_477 = arith.constant 0 : i32
      %dma_wait3A_478 = arith.constant 0 : i32
      %dma_wait3A_479 = arith.constant 0 : i32
      %dma_wait3A_480 = arith.constant 4 : i32
      %dma_wait3A_481 = arith.constant 0 : i32
      %dma_wait3A_482 = arith.constant 0 : i32
      %dma_wait3A_483 = tpu.memref_slice %arg6[%dma_wait3A_479, %dma_wait3A_480, %dma_wait3A_481, %dma_wait3A_482] : memref<2x8x64x64xf32, #tpu.memory_space<vmem>> -> memref<1x1x64x64xf32, #tpu.memory_space<vmem>>
      %dma_wait3A_484 = tpu.memref_squeeze %dma_wait3A_483 : memref<1x1x64x64xf32, #tpu.memory_space<vmem>> -> memref<64x64xf32, #tpu.memory_space<vmem>>
      %dma_wait3A_485 = arith.constant 0 : i32
      %dma_wait3A_486 = tpu.memref_slice %arg5[%dma_wait3A_477, %dma_wait3A_478, %dma_wait3A_485] : memref<200x2x64xi32, #tpu.memory_space<vmem>> -> memref<1x1x64xi32, #tpu.memory_space<vmem>>
      %dma_wait3A_487 = tpu.memref_squeeze %dma_wait3A_486 : memref<1x1x64xi32, #tpu.memory_space<vmem>> -> memref<64xi32, #tpu.memory_space<vmem>>
      %dma_wait3A_488 = arith.constant 0 : i32
      %dma_wait3A_489 = arith.constant 0 : i32
      %dma_wait3A_490 = tpu.memref_slice %arg3[%dma_wait3A_488, %dma_wait3A_489] : memref<8192x64xf32, #tpu.memory_space<hbm>> -> memref<8192x64xf32, #tpu.memory_space<hbm>>
      tpu.wait_indirect_dma semaphore(%arg11 : memref<!tpu.dma_semaphore, #tpu.memory_space<semaphore_mem>>) src(%dma_wait3A_490 : memref<8192x64xf32, #tpu.memory_space<hbm>>) dst(%dma_wait3A_484 : memref<64x64xf32, #tpu.memory_space<vmem>>)
      %dma_wait3A_491 = arith.constant 0 : i32
      %dma_wait3A_492 = arith.constant 0 : i32
      %dma_wait3A_493 = arith.constant 1 : i32
      %dma_wait3A_494 = arith.constant 4 : i32
      %dma_wait3A_495 = arith.constant 0 : i32
      %dma_wait3A_496 = arith.constant 0 : i32
      %dma_wait3A_497 = tpu.memref_slice %arg6[%dma_wait3A_493, %dma_wait3A_494, %dma_wait3A_495, %dma_wait3A_496] : memref<2x8x64x64xf32, #tpu.memory_space<vmem>> -> memref<1x1x64x64xf32, #tpu.memory_space<vmem>>
      %dma_wait3A_498 = tpu.memref_squeeze %dma_wait3A_497 : memref<1x1x64x64xf32, #tpu.memory_space<vmem>> -> memref<64x64xf32, #tpu.memory_space<vmem>>
      %dma_wait3A_499 = arith.constant 0 : i32
      %dma_wait3A_500 = tpu.memref_slice %arg5[%dma_wait3A_491, %dma_wait3A_492, %dma_wait3A_499] : memref<200x2x64xi32, #tpu.memory_space<vmem>> -> memref<1x1x64xi32, #tpu.memory_space<vmem>>
      %dma_wait3A_501 = tpu.memref_squeeze %dma_wait3A_500 : memref<1x1x64xi32, #tpu.memory_space<vmem>> -> memref<64xi32, #tpu.memory_space<vmem>>
      %dma_wait3A_502 = arith.constant 0 : i32
      %dma_wait3A_503 = arith.constant 0 : i32
      %dma_wait3A_504 = tpu.memref_slice %arg3[%dma_wait3A_502, %dma_wait3A_503] : memref<8192x64xf32, #tpu.memory_space<hbm>> -> memref<8192x64xf32, #tpu.memory_space<hbm>>
      tpu.wait_indirect_dma semaphore(%arg11 : memref<!tpu.dma_semaphore, #tpu.memory_space<semaphore_mem>>) src(%dma_wait3A_504 : memref<8192x64xf32, #tpu.memory_space<hbm>>) dst(%dma_wait3A_498 : memref<64x64xf32, #tpu.memory_space<vmem>>)
      %add3A_505 = arith.constant 4 : i32
      %add3A_506 = arith.addi %mul3A_233, %add3A_505 : i32
      %mul3A_507 = arith.constant 64 : i32
      %mul3A_508 = arith.muli %add3A_506, %mul3A_507 : i32
      %add3A_509 = arith.addi %mul3A_2, %mul3A_508 : i32
      %dma_start3A_510 = arith.constant 0 : i32
      %dma_start3A_511 = arith.constant 4 : i32
      %dma_start3A_512 = arith.constant 0 : i32
      %dma_start3A_513 = arith.constant 0 : i32
      %dma_start3A_514 = tpu.memref_slice %arg6[%dma_start3A_510, %dma_start3A_511, %dma_start3A_512, %dma_start3A_513] : memref<2x8x64x64xf32, #tpu.memory_space<vmem>> -> memref<1x1x64x64xf32, #tpu.memory_space<vmem>>
      %dma_start3A_515 = tpu.memref_squeeze %dma_start3A_514 : memref<1x1x64x64xf32, #tpu.memory_space<vmem>> -> memref<64x64xf32, #tpu.memory_space<vmem>>
      %dma_start3A_516 = arith.constant 0 : i32
      %dma_start3A_517 = tpu.memref_slice %arg4[%add3A_509, %dma_start3A_516] : memref<409600x128xf32, #tpu.memory_space<hbm>> -> memref<64x64xf32, #tpu.memory_space<hbm>>
      %dma_start3A_518 = arith.constant 0 : i32
      %dma_start3A_519 = tpu.memref_slice %arg4[%add3A_509, %dma_start3A_518] : memref<409600x128xf32, #tpu.memory_space<hbm>> -> memref<64x64xf32, #tpu.memory_space<hbm>>
      %dma_start3A_520 = arith.constant 0 : i32
      %dma_start3A_521 = arith.constant 0 : i32
      %dma_start3A_522 = tpu.memref_slice %arg6[%dma_start3A_510, %dma_start3A_511, %dma_start3A_520, %dma_start3A_521] : memref<2x8x64x64xf32, #tpu.memory_space<vmem>> -> memref<1x1x64x64xf32, #tpu.memory_space<vmem>>
      %dma_start3A_523 = tpu.memref_squeeze %dma_start3A_522 : memref<1x1x64x64xf32, #tpu.memory_space<vmem>> -> memref<64x64xf32, #tpu.memory_space<vmem>>
      tpu.enqueue_dma source(%dma_start3A_523 : memref<64x64xf32, #tpu.memory_space<vmem>>) target(%dma_start3A_519 : memref<64x64xf32, #tpu.memory_space<hbm>>) target_semaphore(%arg19 : memref<!tpu.dma_semaphore, #tpu.memory_space<semaphore_mem>>)
      %dma_start3A_524 = arith.constant 1 : i32
      %dma_start3A_525 = arith.constant 4 : i32
      %dma_start3A_526 = arith.constant 0 : i32
      %dma_start3A_527 = arith.constant 0 : i32
      %dma_start3A_528 = tpu.memref_slice %arg6[%dma_start3A_524, %dma_start3A_525, %dma_start3A_526, %dma_start3A_527] : memref<2x8x64x64xf32, #tpu.memory_space<vmem>> -> memref<1x1x64x64xf32, #tpu.memory_space<vmem>>
      %dma_start3A_529 = tpu.memref_squeeze %dma_start3A_528 : memref<1x1x64x64xf32, #tpu.memory_space<vmem>> -> memref<64x64xf32, #tpu.memory_space<vmem>>
      %dma_start3A_530 = arith.constant 64 : i32
      %dma_start3A_531 = tpu.memref_slice %arg4[%add3A_509, %dma_start3A_530] : memref<409600x128xf32, #tpu.memory_space<hbm>> -> memref<64x64xf32, #tpu.memory_space<hbm>>
      %dma_start3A_532 = arith.constant 64 : i32
      %dma_start3A_533 = tpu.memref_slice %arg4[%add3A_509, %dma_start3A_532] : memref<409600x128xf32, #tpu.memory_space<hbm>> -> memref<64x64xf32, #tpu.memory_space<hbm>>
      %dma_start3A_534 = arith.constant 0 : i32
      %dma_start3A_535 = arith.constant 0 : i32
      %dma_start3A_536 = tpu.memref_slice %arg6[%dma_start3A_524, %dma_start3A_525, %dma_start3A_534, %dma_start3A_535] : memref<2x8x64x64xf32, #tpu.memory_space<vmem>> -> memref<1x1x64x64xf32, #tpu.memory_space<vmem>>
      %dma_start3A_537 = tpu.memref_squeeze %dma_start3A_536 : memref<1x1x64x64xf32, #tpu.memory_space<vmem>> -> memref<64x64xf32, #tpu.memory_space<vmem>>
      tpu.enqueue_dma source(%dma_start3A_537 : memref<64x64xf32, #tpu.memory_space<vmem>>) target(%dma_start3A_533 : memref<64x64xf32, #tpu.memory_space<hbm>>) target_semaphore(%arg19 : memref<!tpu.dma_semaphore, #tpu.memory_space<semaphore_mem>>)
      %dma_wait3A_538 = arith.constant 0 : i32
      %dma_wait3A_539 = arith.constant 0 : i32
      %dma_wait3A_540 = arith.constant 0 : i32
      %dma_wait3A_541 = arith.constant 5 : i32
      %dma_wait3A_542 = arith.constant 0 : i32
      %dma_wait3A_543 = arith.constant 0 : i32
      %dma_wait3A_544 = tpu.memref_slice %arg6[%dma_wait3A_540, %dma_wait3A_541, %dma_wait3A_542, %dma_wait3A_543] : memref<2x8x64x64xf32, #tpu.memory_space<vmem>> -> memref<1x1x64x64xf32, #tpu.memory_space<vmem>>
      %dma_wait3A_545 = tpu.memref_squeeze %dma_wait3A_544 : memref<1x1x64x64xf32, #tpu.memory_space<vmem>> -> memref<64x64xf32, #tpu.memory_space<vmem>>
      %dma_wait3A_546 = arith.constant 0 : i32
      %dma_wait3A_547 = tpu.memref_slice %arg5[%dma_wait3A_538, %dma_wait3A_539, %dma_wait3A_546] : memref<200x2x64xi32, #tpu.memory_space<vmem>> -> memref<1x1x64xi32, #tpu.memory_space<vmem>>
      %dma_wait3A_548 = tpu.memref_squeeze %dma_wait3A_547 : memref<1x1x64xi32, #tpu.memory_space<vmem>> -> memref<64xi32, #tpu.memory_space<vmem>>
      %dma_wait3A_549 = arith.constant 0 : i32
      %dma_wait3A_550 = arith.constant 0 : i32
      %dma_wait3A_551 = tpu.memref_slice %arg3[%dma_wait3A_549, %dma_wait3A_550] : memref<8192x64xf32, #tpu.memory_space<hbm>> -> memref<8192x64xf32, #tpu.memory_space<hbm>>
      tpu.wait_indirect_dma semaphore(%arg12 : memref<!tpu.dma_semaphore, #tpu.memory_space<semaphore_mem>>) src(%dma_wait3A_551 : memref<8192x64xf32, #tpu.memory_space<hbm>>) dst(%dma_wait3A_545 : memref<64x64xf32, #tpu.memory_space<vmem>>)
      %dma_wait3A_552 = arith.constant 0 : i32
      %dma_wait3A_553 = arith.constant 0 : i32
      %dma_wait3A_554 = arith.constant 1 : i32
      %dma_wait3A_555 = arith.constant 5 : i32
      %dma_wait3A_556 = arith.constant 0 : i32
      %dma_wait3A_557 = arith.constant 0 : i32
      %dma_wait3A_558 = tpu.memref_slice %arg6[%dma_wait3A_554, %dma_wait3A_555, %dma_wait3A_556, %dma_wait3A_557] : memref<2x8x64x64xf32, #tpu.memory_space<vmem>> -> memref<1x1x64x64xf32, #tpu.memory_space<vmem>>
      %dma_wait3A_559 = tpu.memref_squeeze %dma_wait3A_558 : memref<1x1x64x64xf32, #tpu.memory_space<vmem>> -> memref<64x64xf32, #tpu.memory_space<vmem>>
      %dma_wait3A_560 = arith.constant 0 : i32
      %dma_wait3A_561 = tpu.memref_slice %arg5[%dma_wait3A_552, %dma_wait3A_553, %dma_wait3A_560] : memref<200x2x64xi32, #tpu.memory_space<vmem>> -> memref<1x1x64xi32, #tpu.memory_space<vmem>>
      %dma_wait3A_562 = tpu.memref_squeeze %dma_wait3A_561 : memref<1x1x64xi32, #tpu.memory_space<vmem>> -> memref<64xi32, #tpu.memory_space<vmem>>
      %dma_wait3A_563 = arith.constant 0 : i32
      %dma_wait3A_564 = arith.constant 0 : i32
      %dma_wait3A_565 = tpu.memref_slice %arg3[%dma_wait3A_563, %dma_wait3A_564] : memref<8192x64xf32, #tpu.memory_space<hbm>> -> memref<8192x64xf32, #tpu.memory_space<hbm>>
      tpu.wait_indirect_dma semaphore(%arg12 : memref<!tpu.dma_semaphore, #tpu.memory_space<semaphore_mem>>) src(%dma_wait3A_565 : memref<8192x64xf32, #tpu.memory_space<hbm>>) dst(%dma_wait3A_559 : memref<64x64xf32, #tpu.memory_space<vmem>>)
      %add3A_566 = arith.constant 5 : i32
      %add3A_567 = arith.addi %mul3A_233, %add3A_566 : i32
      %mul3A_568 = arith.constant 64 : i32
      %mul3A_569 = arith.muli %add3A_567, %mul3A_568 : i32
      %add3A_570 = arith.addi %mul3A_2, %mul3A_569 : i32
      %dma_start3A_571 = arith.constant 0 : i32
      %dma_start3A_572 = arith.constant 5 : i32
      %dma_start3A_573 = arith.constant 0 : i32
      %dma_start3A_574 = arith.constant 0 : i32
      %dma_start3A_575 = tpu.memref_slice %arg6[%dma_start3A_571, %dma_start3A_572, %dma_start3A_573, %dma_start3A_574] : memref<2x8x64x64xf32, #tpu.memory_space<vmem>> -> memref<1x1x64x64xf32, #tpu.memory_space<vmem>>
      %dma_start3A_576 = tpu.memref_squeeze %dma_start3A_575 : memref<1x1x64x64xf32, #tpu.memory_space<vmem>> -> memref<64x64xf32, #tpu.memory_space<vmem>>
      %dma_start3A_577 = arith.constant 0 : i32
      %dma_start3A_578 = tpu.memref_slice %arg4[%add3A_570, %dma_start3A_577] : memref<409600x128xf32, #tpu.memory_space<hbm>> -> memref<64x64xf32, #tpu.memory_space<hbm>>
      %dma_start3A_579 = arith.constant 0 : i32
      %dma_start3A_580 = tpu.memref_slice %arg4[%add3A_570, %dma_start3A_579] : memref<409600x128xf32, #tpu.memory_space<hbm>> -> memref<64x64xf32, #tpu.memory_space<hbm>>
      %dma_start3A_581 = arith.constant 0 : i32
      %dma_start3A_582 = arith.constant 0 : i32
      %dma_start3A_583 = tpu.memref_slice %arg6[%dma_start3A_571, %dma_start3A_572, %dma_start3A_581, %dma_start3A_582] : memref<2x8x64x64xf32, #tpu.memory_space<vmem>> -> memref<1x1x64x64xf32, #tpu.memory_space<vmem>>
      %dma_start3A_584 = tpu.memref_squeeze %dma_start3A_583 : memref<1x1x64x64xf32, #tpu.memory_space<vmem>> -> memref<64x64xf32, #tpu.memory_space<vmem>>
      tpu.enqueue_dma source(%dma_start3A_584 : memref<64x64xf32, #tpu.memory_space<vmem>>) target(%dma_start3A_580 : memref<64x64xf32, #tpu.memory_space<hbm>>) target_semaphore(%arg20 : memref<!tpu.dma_semaphore, #tpu.memory_space<semaphore_mem>>)
      %dma_start3A_585 = arith.constant 1 : i32
      %dma_start3A_586 = arith.constant 5 : i32
      %dma_start3A_587 = arith.constant 0 : i32
      %dma_start3A_588 = arith.constant 0 : i32
      %dma_start3A_589 = tpu.memref_slice %arg6[%dma_start3A_585, %dma_start3A_586, %dma_start3A_587, %dma_start3A_588] : memref<2x8x64x64xf32, #tpu.memory_space<vmem>> -> memref<1x1x64x64xf32, #tpu.memory_space<vmem>>
      %dma_start3A_590 = tpu.memref_squeeze %dma_start3A_589 : memref<1x1x64x64xf32, #tpu.memory_space<vmem>> -> memref<64x64xf32, #tpu.memory_space<vmem>>
      %dma_start3A_591 = arith.constant 64 : i32
      %dma_start3A_592 = tpu.memref_slice %arg4[%add3A_570, %dma_start3A_591] : memref<409600x128xf32, #tpu.memory_space<hbm>> -> memref<64x64xf32, #tpu.memory_space<hbm>>
      %dma_start3A_593 = arith.constant 64 : i32
      %dma_start3A_594 = tpu.memref_slice %arg4[%add3A_570, %dma_start3A_593] : memref<409600x128xf32, #tpu.memory_space<hbm>> -> memref<64x64xf32, #tpu.memory_space<hbm>>
      %dma_start3A_595 = arith.constant 0 : i32
      %dma_start3A_596 = arith.constant 0 : i32
      %dma_start3A_597 = tpu.memref_slice %arg6[%dma_start3A_585, %dma_start3A_586, %dma_start3A_595, %dma_start3A_596] : memref<2x8x64x64xf32, #tpu.memory_space<vmem>> -> memref<1x1x64x64xf32, #tpu.memory_space<vmem>>
      %dma_start3A_598 = tpu.memref_squeeze %dma_start3A_597 : memref<1x1x64x64xf32, #tpu.memory_space<vmem>> -> memref<64x64xf32, #tpu.memory_space<vmem>>
      tpu.enqueue_dma source(%dma_start3A_598 : memref<64x64xf32, #tpu.memory_space<vmem>>) target(%dma_start3A_594 : memref<64x64xf32, #tpu.memory_space<hbm>>) target_semaphore(%arg20 : memref<!tpu.dma_semaphore, #tpu.memory_space<semaphore_mem>>)
      %dma_wait3A_599 = arith.constant 0 : i32
      %dma_wait3A_600 = arith.constant 0 : i32
      %dma_wait3A_601 = arith.constant 0 : i32
      %dma_wait3A_602 = arith.constant 6 : i32
      %dma_wait3A_603 = arith.constant 0 : i32
      %dma_wait3A_604 = arith.constant 0 : i32
      %dma_wait3A_605 = tpu.memref_slice %arg6[%dma_wait3A_601, %dma_wait3A_602, %dma_wait3A_603, %dma_wait3A_604] : memref<2x8x64x64xf32, #tpu.memory_space<vmem>> -> memref<1x1x64x64xf32, #tpu.memory_space<vmem>>
      %dma_wait3A_606 = tpu.memref_squeeze %dma_wait3A_605 : memref<1x1x64x64xf32, #tpu.memory_space<vmem>> -> memref<64x64xf32, #tpu.memory_space<vmem>>
      %dma_wait3A_607 = arith.constant 0 : i32
      %dma_wait3A_608 = tpu.memref_slice %arg5[%dma_wait3A_599, %dma_wait3A_600, %dma_wait3A_607] : memref<200x2x64xi32, #tpu.memory_space<vmem>> -> memref<1x1x64xi32, #tpu.memory_space<vmem>>
      %dma_wait3A_609 = tpu.memref_squeeze %dma_wait3A_608 : memref<1x1x64xi32, #tpu.memory_space<vmem>> -> memref<64xi32, #tpu.memory_space<vmem>>
      %dma_wait3A_610 = arith.constant 0 : i32
      %dma_wait3A_611 = arith.constant 0 : i32
      %dma_wait3A_612 = tpu.memref_slice %arg3[%dma_wait3A_610, %dma_wait3A_611] : memref<8192x64xf32, #tpu.memory_space<hbm>> -> memref<8192x64xf32, #tpu.memory_space<hbm>>
      tpu.wait_indirect_dma semaphore(%arg13 : memref<!tpu.dma_semaphore, #tpu.memory_space<semaphore_mem>>) src(%dma_wait3A_612 : memref<8192x64xf32, #tpu.memory_space<hbm>>) dst(%dma_wait3A_606 : memref<64x64xf32, #tpu.memory_space<vmem>>)
      %dma_wait3A_613 = arith.constant 0 : i32
      %dma_wait3A_614 = arith.constant 0 : i32
      %dma_wait3A_615 = arith.constant 1 : i32
      %dma_wait3A_616 = arith.constant 6 : i32
      %dma_wait3A_617 = arith.constant 0 : i32
      %dma_wait3A_618 = arith.constant 0 : i32
      %dma_wait3A_619 = tpu.memref_slice %arg6[%dma_wait3A_615, %dma_wait3A_616, %dma_wait3A_617, %dma_wait3A_618] : memref<2x8x64x64xf32, #tpu.memory_space<vmem>> -> memref<1x1x64x64xf32, #tpu.memory_space<vmem>>
      %dma_wait3A_620 = tpu.memref_squeeze %dma_wait3A_619 : memref<1x1x64x64xf32, #tpu.memory_space<vmem>> -> memref<64x64xf32, #tpu.memory_space<vmem>>
      %dma_wait3A_621 = arith.constant 0 : i32
      %dma_wait3A_622 = tpu.memref_slice %arg5[%dma_wait3A_613, %dma_wait3A_614, %dma_wait3A_621] : memref<200x2x64xi32, #tpu.memory_space<vmem>> -> memref<1x1x64xi32, #tpu.memory_space<vmem>>
      %dma_wait3A_623 = tpu.memref_squeeze %dma_wait3A_622 : memref<1x1x64xi32, #tpu.memory_space<vmem>> -> memref<64xi32, #tpu.memory_space<vmem>>
      %dma_wait3A_624 = arith.constant 0 : i32
      %dma_wait3A_625 = arith.constant 0 : i32
      %dma_wait3A_626 = tpu.memref_slice %arg3[%dma_wait3A_624, %dma_wait3A_625] : memref<8192x64xf32, #tpu.memory_space<hbm>> -> memref<8192x64xf32, #tpu.memory_space<hbm>>
      tpu.wait_indirect_dma semaphore(%arg13 : memref<!tpu.dma_semaphore, #tpu.memory_space<semaphore_mem>>) src(%dma_wait3A_626 : memref<8192x64xf32, #tpu.memory_space<hbm>>) dst(%dma_wait3A_620 : memref<64x64xf32, #tpu.memory_space<vmem>>)
      %add3A_627 = arith.constant 6 : i32
      %add3A_628 = arith.addi %mul3A_233, %add3A_627 : i32
      %mul3A_629 = arith.constant 64 : i32
      %mul3A_630 = arith.muli %add3A_628, %mul3A_629 : i32
      %add3A_631 = arith.addi %mul3A_2, %mul3A_630 : i32
      %dma_start3A_632 = arith.constant 0 : i32
      %dma_start3A_633 = arith.constant 6 : i32
      %dma_start3A_634 = arith.constant 0 : i32
      %dma_start3A_635 = arith.constant 0 : i32
      %dma_start3A_636 = tpu.memref_slice %arg6[%dma_start3A_632, %dma_start3A_633, %dma_start3A_634, %dma_start3A_635] : memref<2x8x64x64xf32, #tpu.memory_space<vmem>> -> memref<1x1x64x64xf32, #tpu.memory_space<vmem>>
      %dma_start3A_637 = tpu.memref_squeeze %dma_start3A_636 : memref<1x1x64x64xf32, #tpu.memory_space<vmem>> -> memref<64x64xf32, #tpu.memory_space<vmem>>
      %dma_start3A_638 = arith.constant 0 : i32
      %dma_start3A_639 = tpu.memref_slice %arg4[%add3A_631, %dma_start3A_638] : memref<409600x128xf32, #tpu.memory_space<hbm>> -> memref<64x64xf32, #tpu.memory_space<hbm>>
      %dma_start3A_640 = arith.constant 0 : i32
      %dma_start3A_641 = tpu.memref_slice %arg4[%add3A_631, %dma_start3A_640] : memref<409600x128xf32, #tpu.memory_space<hbm>> -> memref<64x64xf32, #tpu.memory_space<hbm>>
      %dma_start3A_642 = arith.constant 0 : i32
      %dma_start3A_643 = arith.constant 0 : i32
      %dma_start3A_644 = tpu.memref_slice %arg6[%dma_start3A_632, %dma_start3A_633, %dma_start3A_642, %dma_start3A_643] : memref<2x8x64x64xf32, #tpu.memory_space<vmem>> -> memref<1x1x64x64xf32, #tpu.memory_space<vmem>>
      %dma_start3A_645 = tpu.memref_squeeze %dma_start3A_644 : memref<1x1x64x64xf32, #tpu.memory_space<vmem>> -> memref<64x64xf32, #tpu.memory_space<vmem>>
      tpu.enqueue_dma source(%dma_start3A_645 : memref<64x64xf32, #tpu.memory_space<vmem>>) target(%dma_start3A_641 : memref<64x64xf32, #tpu.memory_space<hbm>>) target_semaphore(%arg21 : memref<!tpu.dma_semaphore, #tpu.memory_space<semaphore_mem>>)
      %dma_start3A_646 = arith.constant 1 : i32
      %dma_start3A_647 = arith.constant 6 : i32
      %dma_start3A_648 = arith.constant 0 : i32
      %dma_start3A_649 = arith.constant 0 : i32
      %dma_start3A_650 = tpu.memref_slice %arg6[%dma_start3A_646, %dma_start3A_647, %dma_start3A_648, %dma_start3A_649] : memref<2x8x64x64xf32, #tpu.memory_space<vmem>> -> memref<1x1x64x64xf32, #tpu.memory_space<vmem>>
      %dma_start3A_651 = tpu.memref_squeeze %dma_start3A_650 : memref<1x1x64x64xf32, #tpu.memory_space<vmem>> -> memref<64x64xf32, #tpu.memory_space<vmem>>
      %dma_start3A_652 = arith.constant 64 : i32
      %dma_start3A_653 = tpu.memref_slice %arg4[%add3A_631, %dma_start3A_652] : memref<409600x128xf32, #tpu.memory_space<hbm>> -> memref<64x64xf32, #tpu.memory_space<hbm>>
      %dma_start3A_654 = arith.constant 64 : i32
      %dma_start3A_655 = tpu.memref_slice %arg4[%add3A_631, %dma_start3A_654] : memref<409600x128xf32, #tpu.memory_space<hbm>> -> memref<64x64xf32, #tpu.memory_space<hbm>>
      %dma_start3A_656 = arith.constant 0 : i32
      %dma_start3A_657 = arith.constant 0 : i32
      %dma_start3A_658 = tpu.memref_slice %arg6[%dma_start3A_646, %dma_start3A_647, %dma_start3A_656, %dma_start3A_657] : memref<2x8x64x64xf32, #tpu.memory_space<vmem>> -> memref<1x1x64x64xf32, #tpu.memory_space<vmem>>
      %dma_start3A_659 = tpu.memref_squeeze %dma_start3A_658 : memref<1x1x64x64xf32, #tpu.memory_space<vmem>> -> memref<64x64xf32, #tpu.memory_space<vmem>>
      tpu.enqueue_dma source(%dma_start3A_659 : memref<64x64xf32, #tpu.memory_space<vmem>>) target(%dma_start3A_655 : memref<64x64xf32, #tpu.memory_space<hbm>>) target_semaphore(%arg21 : memref<!tpu.dma_semaphore, #tpu.memory_space<semaphore_mem>>)
      %dma_wait3A_660 = arith.constant 0 : i32
      %dma_wait3A_661 = arith.constant 0 : i32
      %dma_wait3A_662 = arith.constant 0 : i32
      %dma_wait3A_663 = arith.constant 7 : i32
      %dma_wait3A_664 = arith.constant 0 : i32
      %dma_wait3A_665 = arith.constant 0 : i32
      %dma_wait3A_666 = tpu.memref_slice %arg6[%dma_wait3A_662, %dma_wait3A_663, %dma_wait3A_664, %dma_wait3A_665] : memref<2x8x64x64xf32, #tpu.memory_space<vmem>> -> memref<1x1x64x64xf32, #tpu.memory_space<vmem>>
      %dma_wait3A_667 = tpu.memref_squeeze %dma_wait3A_666 : memref<1x1x64x64xf32, #tpu.memory_space<vmem>> -> memref<64x64xf32, #tpu.memory_space<vmem>>
      %dma_wait3A_668 = arith.constant 0 : i32
      %dma_wait3A_669 = tpu.memref_slice %arg5[%dma_wait3A_660, %dma_wait3A_661, %dma_wait3A_668] : memref<200x2x64xi32, #tpu.memory_space<vmem>> -> memref<1x1x64xi32, #tpu.memory_space<vmem>>
      %dma_wait3A_670 = tpu.memref_squeeze %dma_wait3A_669 : memref<1x1x64xi32, #tpu.memory_space<vmem>> -> memref<64xi32, #tpu.memory_space<vmem>>
      %dma_wait3A_671 = arith.constant 0 : i32
      %dma_wait3A_672 = arith.constant 0 : i32
      %dma_wait3A_673 = tpu.memref_slice %arg3[%dma_wait3A_671, %dma_wait3A_672] : memref<8192x64xf32, #tpu.memory_space<hbm>> -> memref<8192x64xf32, #tpu.memory_space<hbm>>
      tpu.wait_indirect_dma semaphore(%arg14 : memref<!tpu.dma_semaphore, #tpu.memory_space<semaphore_mem>>) src(%dma_wait3A_673 : memref<8192x64xf32, #tpu.memory_space<hbm>>) dst(%dma_wait3A_667 : memref<64x64xf32, #tpu.memory_space<vmem>>)
      %dma_wait3A_674 = arith.constant 0 : i32
      %dma_wait3A_675 = arith.constant 0 : i32
      %dma_wait3A_676 = arith.constant 1 : i32
      %dma_wait3A_677 = arith.constant 7 : i32
      %dma_wait3A_678 = arith.constant 0 : i32
      %dma_wait3A_679 = arith.constant 0 : i32
      %dma_wait3A_680 = tpu.memref_slice %arg6[%dma_wait3A_676, %dma_wait3A_677, %dma_wait3A_678, %dma_wait3A_679] : memref<2x8x64x64xf32, #tpu.memory_space<vmem>> -> memref<1x1x64x64xf32, #tpu.memory_space<vmem>>
      %dma_wait3A_681 = tpu.memref_squeeze %dma_wait3A_680 : memref<1x1x64x64xf32, #tpu.memory_space<vmem>> -> memref<64x64xf32, #tpu.memory_space<vmem>>
      %dma_wait3A_682 = arith.constant 0 : i32
      %dma_wait3A_683 = tpu.memref_slice %arg5[%dma_wait3A_674, %dma_wait3A_675, %dma_wait3A_682] : memref<200x2x64xi32, #tpu.memory_space<vmem>> -> memref<1x1x64xi32, #tpu.memory_space<vmem>>
      %dma_wait3A_684 = tpu.memref_squeeze %dma_wait3A_683 : memref<1x1x64xi32, #tpu.memory_space<vmem>> -> memref<64xi32, #tpu.memory_space<vmem>>
      %dma_wait3A_685 = arith.constant 0 : i32
      %dma_wait3A_686 = arith.constant 0 : i32
      %dma_wait3A_687 = tpu.memref_slice %arg3[%dma_wait3A_685, %dma_wait3A_686] : memref<8192x64xf32, #tpu.memory_space<hbm>> -> memref<8192x64xf32, #tpu.memory_space<hbm>>
      tpu.wait_indirect_dma semaphore(%arg14 : memref<!tpu.dma_semaphore, #tpu.memory_space<semaphore_mem>>) src(%dma_wait3A_687 : memref<8192x64xf32, #tpu.memory_space<hbm>>) dst(%dma_wait3A_681 : memref<64x64xf32, #tpu.memory_space<vmem>>)
      %add3A_688 = arith.constant 7 : i32
      %add3A_689 = arith.addi %mul3A_233, %add3A_688 : i32
      %mul3A_690 = arith.constant 64 : i32
      %mul3A_691 = arith.muli %add3A_689, %mul3A_690 : i32
      %add3A_692 = arith.addi %mul3A_2, %mul3A_691 : i32
      %dma_start3A_693 = arith.constant 0 : i32
      %dma_start3A_694 = arith.constant 7 : i32
      %dma_start3A_695 = arith.constant 0 : i32
      %dma_start3A_696 = arith.constant 0 : i32
      %dma_start3A_697 = tpu.memref_slice %arg6[%dma_start3A_693, %dma_start3A_694, %dma_start3A_695, %dma_start3A_696] : memref<2x8x64x64xf32, #tpu.memory_space<vmem>> -> memref<1x1x64x64xf32, #tpu.memory_space<vmem>>
      %dma_start3A_698 = tpu.memref_squeeze %dma_start3A_697 : memref<1x1x64x64xf32, #tpu.memory_space<vmem>> -> memref<64x64xf32, #tpu.memory_space<vmem>>
      %dma_start3A_699 = arith.constant 0 : i32
      %dma_start3A_700 = tpu.memref_slice %arg4[%add3A_692, %dma_start3A_699] : memref<409600x128xf32, #tpu.memory_space<hbm>> -> memref<64x64xf32, #tpu.memory_space<hbm>>
      %dma_start3A_701 = arith.constant 0 : i32
      %dma_start3A_702 = tpu.memref_slice %arg4[%add3A_692, %dma_start3A_701] : memref<409600x128xf32, #tpu.memory_space<hbm>> -> memref<64x64xf32, #tpu.memory_space<hbm>>
      %dma_start3A_703 = arith.constant 0 : i32
      %dma_start3A_704 = arith.constant 0 : i32
      %dma_start3A_705 = tpu.memref_slice %arg6[%dma_start3A_693, %dma_start3A_694, %dma_start3A_703, %dma_start3A_704] : memref<2x8x64x64xf32, #tpu.memory_space<vmem>> -> memref<1x1x64x64xf32, #tpu.memory_space<vmem>>
      %dma_start3A_706 = tpu.memref_squeeze %dma_start3A_705 : memref<1x1x64x64xf32, #tpu.memory_space<vmem>> -> memref<64x64xf32, #tpu.memory_space<vmem>>
      tpu.enqueue_dma source(%dma_start3A_706 : memref<64x64xf32, #tpu.memory_space<vmem>>) target(%dma_start3A_702 : memref<64x64xf32, #tpu.memory_space<hbm>>) target_semaphore(%arg22 : memref<!tpu.dma_semaphore, #tpu.memory_space<semaphore_mem>>)
      %dma_start3A_707 = arith.constant 1 : i32
      %dma_start3A_708 = arith.constant 7 : i32
      %dma_start3A_709 = arith.constant 0 : i32
      %dma_start3A_710 = arith.constant 0 : i32
      %dma_start3A_711 = tpu.memref_slice %arg6[%dma_start3A_707, %dma_start3A_708, %dma_start3A_709, %dma_start3A_710] : memref<2x8x64x64xf32, #tpu.memory_space<vmem>> -> memref<1x1x64x64xf32, #tpu.memory_space<vmem>>
      %dma_start3A_712 = tpu.memref_squeeze %dma_start3A_711 : memref<1x1x64x64xf32, #tpu.memory_space<vmem>> -> memref<64x64xf32, #tpu.memory_space<vmem>>
      %dma_start3A_713 = arith.constant 64 : i32
      %dma_start3A_714 = tpu.memref_slice %arg4[%add3A_692, %dma_start3A_713] : memref<409600x128xf32, #tpu.memory_space<hbm>> -> memref<64x64xf32, #tpu.memory_space<hbm>>
      %dma_start3A_715 = arith.constant 64 : i32
      %dma_start3A_716 = tpu.memref_slice %arg4[%add3A_692, %dma_start3A_715] : memref<409600x128xf32, #tpu.memory_space<hbm>> -> memref<64x64xf32, #tpu.memory_space<hbm>>
      %dma_start3A_717 = arith.constant 0 : i32
      %dma_start3A_718 = arith.constant 0 : i32
      %dma_start3A_719 = tpu.memref_slice %arg6[%dma_start3A_707, %dma_start3A_708, %dma_start3A_717, %dma_start3A_718] : memref<2x8x64x64xf32, #tpu.memory_space<vmem>> -> memref<1x1x64x64xf32, #tpu.memory_space<vmem>>
      %dma_start3A_720 = tpu.memref_squeeze %dma_start3A_719 : memref<1x1x64x64xf32, #tpu.memory_space<vmem>> -> memref<64x64xf32, #tpu.memory_space<vmem>>
      tpu.enqueue_dma source(%dma_start3A_720 : memref<64x64xf32, #tpu.memory_space<vmem>>) target(%dma_start3A_716 : memref<64x64xf32, #tpu.memory_space<hbm>>) target_semaphore(%arg22 : memref<!tpu.dma_semaphore, #tpu.memory_space<semaphore_mem>>)
      %dma_wait3A_721 = arith.constant 0 : i32
      %dma_wait3A_722 = arith.constant 0 : i32
      %dma_wait3A_723 = arith.constant 0 : i32
      %dma_wait3A_724 = arith.constant 0 : i32
      %dma_wait3A_725 = tpu.memref_slice %arg6[%dma_wait3A_721, %dma_wait3A_722, %dma_wait3A_723, %dma_wait3A_724] : memref<2x8x64x64xf32, #tpu.memory_space<vmem>> -> memref<1x1x64x64xf32, #tpu.memory_space<vmem>>
      %dma_wait3A_726 = tpu.memref_squeeze %dma_wait3A_725 : memref<1x1x64x64xf32, #tpu.memory_space<vmem>> -> memref<64x64xf32, #tpu.memory_space<vmem>>
      %dma_wait3A_727 = arith.constant 0 : i32
      %dma_wait3A_728 = tpu.memref_slice %arg4[%mul3A_2, %dma_wait3A_727] : memref<409600x128xf32, #tpu.memory_space<hbm>> -> memref<64x64xf32, #tpu.memory_space<hbm>>
      %dma_wait3A_729 = arith.constant 0 : i32
      %dma_wait3A_730 = tpu.memref_slice %arg4[%mul3A_2, %dma_wait3A_729] : memref<409600x128xf32, #tpu.memory_space<hbm>> -> memref<64x64xf32, #tpu.memory_space<hbm>>
      %dma_wait3A_731 = arith.constant 0 : i32
      %dma_wait3A_732 = arith.constant 0 : i32
      %dma_wait3A_733 = tpu.memref_slice %arg6[%dma_wait3A_721, %dma_wait3A_722, %dma_wait3A_731, %dma_wait3A_732] : memref<2x8x64x64xf32, #tpu.memory_space<vmem>> -> memref<1x1x64x64xf32, #tpu.memory_space<vmem>>
      %dma_wait3A_734 = tpu.memref_squeeze %dma_wait3A_733 : memref<1x1x64x64xf32, #tpu.memory_space<vmem>> -> memref<64x64xf32, #tpu.memory_space<vmem>>
      tpu.wait_dma2 semaphore(%arg15 : memref<!tpu.dma_semaphore, #tpu.memory_space<semaphore_mem>>) src(%dma_wait3A_734 : memref<64x64xf32, #tpu.memory_space<vmem>>) dst(%dma_wait3A_730 : memref<64x64xf32, #tpu.memory_space<hbm>>)
      %dma_wait3A_735 = arith.constant 1 : i32
      %dma_wait3A_736 = arith.constant 0 : i32
      %dma_wait3A_737 = arith.constant 0 : i32
      %dma_wait3A_738 = arith.constant 0 : i32
      %dma_wait3A_739 = tpu.memref_slice %arg6[%dma_wait3A_735, %dma_wait3A_736, %dma_wait3A_737, %dma_wait3A_738] : memref<2x8x64x64xf32, #tpu.memory_space<vmem>> -> memref<1x1x64x64xf32, #tpu.memory_space<vmem>>
      %dma_wait3A_740 = tpu.memref_squeeze %dma_wait3A_739 : memref<1x1x64x64xf32, #tpu.memory_space<vmem>> -> memref<64x64xf32, #tpu.memory_space<vmem>>
      %dma_wait3A_741 = arith.constant 64 : i32
      %dma_wait3A_742 = tpu.memref_slice %arg4[%mul3A_2, %dma_wait3A_741] : memref<409600x128xf32, #tpu.memory_space<hbm>> -> memref<64x64xf32, #tpu.memory_space<hbm>>
      %dma_wait3A_743 = arith.constant 64 : i32
      %dma_wait3A_744 = tpu.memref_slice %arg4[%mul3A_2, %dma_wait3A_743] : memref<409600x128xf32, #tpu.memory_space<hbm>> -> memref<64x64xf32, #tpu.memory_space<hbm>>
      %dma_wait3A_745 = arith.constant 0 : i32
      %dma_wait3A_746 = arith.constant 0 : i32
      %dma_wait3A_747 = tpu.memref_slice %arg6[%dma_wait3A_735, %dma_wait3A_736, %dma_wait3A_745, %dma_wait3A_746] : memref<2x8x64x64xf32, #tpu.memory_space<vmem>> -> memref<1x1x64x64xf32, #tpu.memory_space<vmem>>
      %dma_wait3A_748 = tpu.memref_squeeze %dma_wait3A_747 : memref<1x1x64x64xf32, #tpu.memory_space<vmem>> -> memref<64x64xf32, #tpu.memory_space<vmem>>
      tpu.wait_dma2 semaphore(%arg15 : memref<!tpu.dma_semaphore, #tpu.memory_space<semaphore_mem>>) src(%dma_wait3A_748 : memref<64x64xf32, #tpu.memory_space<vmem>>) dst(%dma_wait3A_744 : memref<64x64xf32, #tpu.memory_space<hbm>>)
      %lt3A = arith.constant 24 : i32
      %lt3A_749 = arith.cmpi slt, %scan3A_231, %lt3A : i32
      %convert_element_type3A = arith.extui %lt3A_749 : i1 to i32
      %cond3A = arith.constant 0 : i32
      %cond3A_750 = arith.cmpi ne, %convert_element_type3A, %cond3A : i32
      scf.if %cond3A_750 {
        %add3A_982 = arith.constant 8 : i32
        %add3A_983 = arith.addi %mul3A_233, %add3A_982 : i32
        %add3A_984 = arith.constant 0 : i32
        %add3A_985 = arith.addi %add3A_983, %add3A_984 : i32
        %dma_start3A_986 = arith.constant 0 : i32
        %dma_start3A_987 = arith.constant 0 : i32
        %dma_start3A_988 = arith.constant 0 : i32
        %dma_start3A_989 = arith.constant 0 : i32
        %dma_start3A_990 = arith.constant 0 : i32
        %dma_start3A_991 = tpu.memref_slice %arg6[%dma_start3A_987, %dma_start3A_988, %dma_start3A_989, %dma_start3A_990] : memref<2x8x64x64xf32, #tpu.memory_space<vmem>> -> memref<1x1x64x64xf32, #tpu.memory_space<vmem>>
        %dma_start3A_992 = tpu.memref_squeeze %dma_start3A_991 : memref<1x1x64x64xf32, #tpu.memory_space<vmem>> -> memref<64x64xf32, #tpu.memory_space<vmem>>
        %dma_start3A_993 = arith.constant 0 : i32
        %dma_start3A_994 = tpu.memref_slice %arg5[%add3A_985, %dma_start3A_986, %dma_start3A_993] : memref<200x2x64xi32, #tpu.memory_space<vmem>> -> memref<1x1x64xi32, #tpu.memory_space<vmem>>
        %dma_start3A_995 = tpu.memref_squeeze %dma_start3A_994 : memref<1x1x64xi32, #tpu.memory_space<vmem>> -> memref<64xi32, #tpu.memory_space<vmem>>
        %dma_start3A_996 = arith.constant 0 : i32
        %dma_start3A_997 = arith.constant 0 : i32
        %dma_start3A_998 = tpu.memref_slice %arg3[%dma_start3A_996, %dma_start3A_997] : memref<8192x64xf32, #tpu.memory_space<hbm>> -> memref<8192x64xf32, #tpu.memory_space<hbm>>
        tpu.enqueue_indirect_dma source(%dma_start3A_998 : memref<8192x64xf32, #tpu.memory_space<hbm>>) target(%dma_start3A_992 : memref<64x64xf32, #tpu.memory_space<vmem>>) offsets(%dma_start3A_995 : memref<64xi32, #tpu.memory_space<vmem>>) semaphore(%arg7 : memref<!tpu.dma_semaphore, #tpu.memory_space<semaphore_mem>>)
        %dma_start3A_999 = arith.constant 1 : i32
        %dma_start3A_1000 = arith.constant 1 : i32
        %dma_start3A_1001 = arith.constant 0 : i32
        %dma_start3A_1002 = arith.constant 0 : i32
        %dma_start3A_1003 = arith.constant 0 : i32
        %dma_start3A_1004 = tpu.memref_slice %arg6[%dma_start3A_1000, %dma_start3A_1001, %dma_start3A_1002, %dma_start3A_1003] : memref<2x8x64x64xf32, #tpu.memory_space<vmem>> -> memref<1x1x64x64xf32, #tpu.memory_space<vmem>>
        %dma_start3A_1005 = tpu.memref_squeeze %dma_start3A_1004 : memref<1x1x64x64xf32, #tpu.memory_space<vmem>> -> memref<64x64xf32, #tpu.memory_space<vmem>>
        %dma_start3A_1006 = arith.constant 0 : i32
        %dma_start3A_1007 = tpu.memref_slice %arg5[%add3A_985, %dma_start3A_999, %dma_start3A_1006] : memref<200x2x64xi32, #tpu.memory_space<vmem>> -> memref<1x1x64xi32, #tpu.memory_space<vmem>>
        %dma_start3A_1008 = tpu.memref_squeeze %dma_start3A_1007 : memref<1x1x64xi32, #tpu.memory_space<vmem>> -> memref<64xi32, #tpu.memory_space<vmem>>
        %dma_start3A_1009 = arith.constant 0 : i32
        %dma_start3A_1010 = arith.constant 0 : i32
        %dma_start3A_1011 = tpu.memref_slice %arg3[%dma_start3A_1009, %dma_start3A_1010] : memref<8192x64xf32, #tpu.memory_space<hbm>> -> memref<8192x64xf32, #tpu.memory_space<hbm>>
        tpu.enqueue_indirect_dma source(%dma_start3A_1011 : memref<8192x64xf32, #tpu.memory_space<hbm>>) target(%dma_start3A_1005 : memref<64x64xf32, #tpu.memory_space<vmem>>) offsets(%dma_start3A_1008 : memref<64xi32, #tpu.memory_space<vmem>>) semaphore(%arg7 : memref<!tpu.dma_semaphore, #tpu.memory_space<semaphore_mem>>)
      } else {
      }
      %dma_wait3A_751 = arith.constant 0 : i32
      %dma_wait3A_752 = arith.constant 1 : i32
      %dma_wait3A_753 = arith.constant 0 : i32
      %dma_wait3A_754 = arith.constant 0 : i32
      %dma_wait3A_755 = tpu.memref_slice %arg6[%dma_wait3A_751, %dma_wait3A_752, %dma_wait3A_753, %dma_wait3A_754] : memref<2x8x64x64xf32, #tpu.memory_space<vmem>> -> memref<1x1x64x64xf32, #tpu.memory_space<vmem>>
      %dma_wait3A_756 = tpu.memref_squeeze %dma_wait3A_755 : memref<1x1x64x64xf32, #tpu.memory_space<vmem>> -> memref<64x64xf32, #tpu.memory_space<vmem>>
      %dma_wait3A_757 = arith.constant 0 : i32
      %dma_wait3A_758 = tpu.memref_slice %arg4[%mul3A_2, %dma_wait3A_757] : memref<409600x128xf32, #tpu.memory_space<hbm>> -> memref<64x64xf32, #tpu.memory_space<hbm>>
      %dma_wait3A_759 = arith.constant 0 : i32
      %dma_wait3A_760 = tpu.memref_slice %arg4[%mul3A_2, %dma_wait3A_759] : memref<409600x128xf32, #tpu.memory_space<hbm>> -> memref<64x64xf32, #tpu.memory_space<hbm>>
      %dma_wait3A_761 = arith.constant 0 : i32
      %dma_wait3A_762 = arith.constant 0 : i32
      %dma_wait3A_763 = tpu.memref_slice %arg6[%dma_wait3A_751, %dma_wait3A_752, %dma_wait3A_761, %dma_wait3A_762] : memref<2x8x64x64xf32, #tpu.memory_space<vmem>> -> memref<1x1x64x64xf32, #tpu.memory_space<vmem>>
      %dma_wait3A_764 = tpu.memref_squeeze %dma_wait3A_763 : memref<1x1x64x64xf32, #tpu.memory_space<vmem>> -> memref<64x64xf32, #tpu.memory_space<vmem>>
      tpu.wait_dma2 semaphore(%arg16 : memref<!tpu.dma_semaphore, #tpu.memory_space<semaphore_mem>>) src(%dma_wait3A_764 : memref<64x64xf32, #tpu.memory_space<vmem>>) dst(%dma_wait3A_760 : memref<64x64xf32, #tpu.memory_space<hbm>>)
      %dma_wait3A_765 = arith.constant 1 : i32
      %dma_wait3A_766 = arith.constant 1 : i32
      %dma_wait3A_767 = arith.constant 0 : i32
      %dma_wait3A_768 = arith.constant 0 : i32
      %dma_wait3A_769 = tpu.memref_slice %arg6[%dma_wait3A_765, %dma_wait3A_766, %dma_wait3A_767, %dma_wait3A_768] : memref<2x8x64x64xf32, #tpu.memory_space<vmem>> -> memref<1x1x64x64xf32, #tpu.memory_space<vmem>>
      %dma_wait3A_770 = tpu.memref_squeeze %dma_wait3A_769 : memref<1x1x64x64xf32, #tpu.memory_space<vmem>> -> memref<64x64xf32, #tpu.memory_space<vmem>>
      %dma_wait3A_771 = arith.constant 64 : i32
      %dma_wait3A_772 = tpu.memref_slice %arg4[%mul3A_2, %dma_wait3A_771] : memref<409600x128xf32, #tpu.memory_space<hbm>> -> memref<64x64xf32, #tpu.memory_space<hbm>>
      %dma_wait3A_773 = arith.constant 64 : i32
      %dma_wait3A_774 = tpu.memref_slice %arg4[%mul3A_2, %dma_wait3A_773] : memref<409600x128xf32, #tpu.memory_space<hbm>> -> memref<64x64xf32, #tpu.memory_space<hbm>>
      %dma_wait3A_775 = arith.constant 0 : i32
      %dma_wait3A_776 = arith.constant 0 : i32
      %dma_wait3A_777 = tpu.memref_slice %arg6[%dma_wait3A_765, %dma_wait3A_766, %dma_wait3A_775, %dma_wait3A_776] : memref<2x8x64x64xf32, #tpu.memory_space<vmem>> -> memref<1x1x64x64xf32, #tpu.memory_space<vmem>>
      %dma_wait3A_778 = tpu.memref_squeeze %dma_wait3A_777 : memref<1x1x64x64xf32, #tpu.memory_space<vmem>> -> memref<64x64xf32, #tpu.memory_space<vmem>>
      tpu.wait_dma2 semaphore(%arg16 : memref<!tpu.dma_semaphore, #tpu.memory_space<semaphore_mem>>) src(%dma_wait3A_778 : memref<64x64xf32, #tpu.memory_space<vmem>>) dst(%dma_wait3A_774 : memref<64x64xf32, #tpu.memory_space<hbm>>)
      %lt3A_779 = arith.constant 24 : i32
      %lt3A_780 = arith.cmpi slt, %scan3A_231, %lt3A_779 : i32
      %convert_element_type3A_781 = arith.extui %lt3A_780 : i1 to i32
      %cond3A_782 = arith.constant 0 : i32
      %cond3A_783 = arith.cmpi ne, %convert_element_type3A_781, %cond3A_782 : i32
      scf.if %cond3A_783 {
        %add3A_982 = arith.constant 8 : i32
        %add3A_983 = arith.addi %mul3A_233, %add3A_982 : i32
        %add3A_984 = arith.constant 1 : i32
        %add3A_985 = arith.addi %add3A_983, %add3A_984 : i32
        %dma_start3A_986 = arith.constant 0 : i32
        %dma_start3A_987 = arith.constant 0 : i32
        %dma_start3A_988 = arith.constant 1 : i32
        %dma_start3A_989 = arith.constant 0 : i32
        %dma_start3A_990 = arith.constant 0 : i32
        %dma_start3A_991 = tpu.memref_slice %arg6[%dma_start3A_987, %dma_start3A_988, %dma_start3A_989, %dma_start3A_990] : memref<2x8x64x64xf32, #tpu.memory_space<vmem>> -> memref<1x1x64x64xf32, #tpu.memory_space<vmem>>
        %dma_start3A_992 = tpu.memref_squeeze %dma_start3A_991 : memref<1x1x64x64xf32, #tpu.memory_space<vmem>> -> memref<64x64xf32, #tpu.memory_space<vmem>>
        %dma_start3A_993 = arith.constant 0 : i32
        %dma_start3A_994 = tpu.memref_slice %arg5[%add3A_985, %dma_start3A_986, %dma_start3A_993] : memref<200x2x64xi32, #tpu.memory_space<vmem>> -> memref<1x1x64xi32, #tpu.memory_space<vmem>>
        %dma_start3A_995 = tpu.memref_squeeze %dma_start3A_994 : memref<1x1x64xi32, #tpu.memory_space<vmem>> -> memref<64xi32, #tpu.memory_space<vmem>>
        %dma_start3A_996 = arith.constant 0 : i32
        %dma_start3A_997 = arith.constant 0 : i32
        %dma_start3A_998 = tpu.memref_slice %arg3[%dma_start3A_996, %dma_start3A_997] : memref<8192x64xf32, #tpu.memory_space<hbm>> -> memref<8192x64xf32, #tpu.memory_space<hbm>>
        tpu.enqueue_indirect_dma source(%dma_start3A_998 : memref<8192x64xf32, #tpu.memory_space<hbm>>) target(%dma_start3A_992 : memref<64x64xf32, #tpu.memory_space<vmem>>) offsets(%dma_start3A_995 : memref<64xi32, #tpu.memory_space<vmem>>) semaphore(%arg8 : memref<!tpu.dma_semaphore, #tpu.memory_space<semaphore_mem>>)
        %dma_start3A_999 = arith.constant 1 : i32
        %dma_start3A_1000 = arith.constant 1 : i32
        %dma_start3A_1001 = arith.constant 1 : i32
        %dma_start3A_1002 = arith.constant 0 : i32
        %dma_start3A_1003 = arith.constant 0 : i32
        %dma_start3A_1004 = tpu.memref_slice %arg6[%dma_start3A_1000, %dma_start3A_1001, %dma_start3A_1002, %dma_start3A_1003] : memref<2x8x64x64xf32, #tpu.memory_space<vmem>> -> memref<1x1x64x64xf32, #tpu.memory_space<vmem>>
        %dma_start3A_1005 = tpu.memref_squeeze %dma_start3A_1004 : memref<1x1x64x64xf32, #tpu.memory_space<vmem>> -> memref<64x64xf32, #tpu.memory_space<vmem>>
        %dma_start3A_1006 = arith.constant 0 : i32
        %dma_start3A_1007 = tpu.memref_slice %arg5[%add3A_985, %dma_start3A_999, %dma_start3A_1006] : memref<200x2x64xi32, #tpu.memory_space<vmem>> -> memref<1x1x64xi32, #tpu.memory_space<vmem>>
        %dma_start3A_1008 = tpu.memref_squeeze %dma_start3A_1007 : memref<1x1x64xi32, #tpu.memory_space<vmem>> -> memref<64xi32, #tpu.memory_space<vmem>>
        %dma_start3A_1009 = arith.constant 0 : i32
        %dma_start3A_1010 = arith.constant 0 : i32
        %dma_start3A_1011 = tpu.memref_slice %arg3[%dma_start3A_1009, %dma_start3A_1010] : memref<8192x64xf32, #tpu.memory_space<hbm>> -> memref<8192x64xf32, #tpu.memory_space<hbm>>
        tpu.enqueue_indirect_dma source(%dma_start3A_1011 : memref<8192x64xf32, #tpu.memory_space<hbm>>) target(%dma_start3A_1005 : memref<64x64xf32, #tpu.memory_space<vmem>>) offsets(%dma_start3A_1008 : memref<64xi32, #tpu.memory_space<vmem>>) semaphore(%arg8 : memref<!tpu.dma_semaphore, #tpu.memory_space<semaphore_mem>>)
      } else {
      }
      %dma_wait3A_784 = arith.constant 0 : i32
      %dma_wait3A_785 = arith.constant 2 : i32
      %dma_wait3A_786 = arith.constant 0 : i32
      %dma_wait3A_787 = arith.constant 0 : i32
      %dma_wait3A_788 = tpu.memref_slice %arg6[%dma_wait3A_784, %dma_wait3A_785, %dma_wait3A_786, %dma_wait3A_787] : memref<2x8x64x64xf32, #tpu.memory_space<vmem>> -> memref<1x1x64x64xf32, #tpu.memory_space<vmem>>
      %dma_wait3A_789 = tpu.memref_squeeze %dma_wait3A_788 : memref<1x1x64x64xf32, #tpu.memory_space<vmem>> -> memref<64x64xf32, #tpu.memory_space<vmem>>
      %dma_wait3A_790 = arith.constant 0 : i32
      %dma_wait3A_791 = tpu.memref_slice %arg4[%mul3A_2, %dma_wait3A_790] : memref<409600x128xf32, #tpu.memory_space<hbm>> -> memref<64x64xf32, #tpu.memory_space<hbm>>
      %dma_wait3A_792 = arith.constant 0 : i32
      %dma_wait3A_793 = tpu.memref_slice %arg4[%mul3A_2, %dma_wait3A_792] : memref<409600x128xf32, #tpu.memory_space<hbm>> -> memref<64x64xf32, #tpu.memory_space<hbm>>
      %dma_wait3A_794 = arith.constant 0 : i32
      %dma_wait3A_795 = arith.constant 0 : i32
      %dma_wait3A_796 = tpu.memref_slice %arg6[%dma_wait3A_784, %dma_wait3A_785, %dma_wait3A_794, %dma_wait3A_795] : memref<2x8x64x64xf32, #tpu.memory_space<vmem>> -> memref<1x1x64x64xf32, #tpu.memory_space<vmem>>
      %dma_wait3A_797 = tpu.memref_squeeze %dma_wait3A_796 : memref<1x1x64x64xf32, #tpu.memory_space<vmem>> -> memref<64x64xf32, #tpu.memory_space<vmem>>
      tpu.wait_dma2 semaphore(%arg17 : memref<!tpu.dma_semaphore, #tpu.memory_space<semaphore_mem>>) src(%dma_wait3A_797 : memref<64x64xf32, #tpu.memory_space<vmem>>) dst(%dma_wait3A_793 : memref<64x64xf32, #tpu.memory_space<hbm>>)
      %dma_wait3A_798 = arith.constant 1 : i32
      %dma_wait3A_799 = arith.constant 2 : i32
      %dma_wait3A_800 = arith.constant 0 : i32
      %dma_wait3A_801 = arith.constant 0 : i32
      %dma_wait3A_802 = tpu.memref_slice %arg6[%dma_wait3A_798, %dma_wait3A_799, %dma_wait3A_800, %dma_wait3A_801] : memref<2x8x64x64xf32, #tpu.memory_space<vmem>> -> memref<1x1x64x64xf32, #tpu.memory_space<vmem>>
      %dma_wait3A_803 = tpu.memref_squeeze %dma_wait3A_802 : memref<1x1x64x64xf32, #tpu.memory_space<vmem>> -> memref<64x64xf32, #tpu.memory_space<vmem>>
      %dma_wait3A_804 = arith.constant 64 : i32
      %dma_wait3A_805 = tpu.memref_slice %arg4[%mul3A_2, %dma_wait3A_804] : memref<409600x128xf32, #tpu.memory_space<hbm>> -> memref<64x64xf32, #tpu.memory_space<hbm>>
      %dma_wait3A_806 = arith.constant 64 : i32
      %dma_wait3A_807 = tpu.memref_slice %arg4[%mul3A_2, %dma_wait3A_806] : memref<409600x128xf32, #tpu.memory_space<hbm>> -> memref<64x64xf32, #tpu.memory_space<hbm>>
      %dma_wait3A_808 = arith.constant 0 : i32
      %dma_wait3A_809 = arith.constant 0 : i32
      %dma_wait3A_810 = tpu.memref_slice %arg6[%dma_wait3A_798, %dma_wait3A_799, %dma_wait3A_808, %dma_wait3A_809] : memref<2x8x64x64xf32, #tpu.memory_space<vmem>> -> memref<1x1x64x64xf32, #tpu.memory_space<vmem>>
      %dma_wait3A_811 = tpu.memref_squeeze %dma_wait3A_810 : memref<1x1x64x64xf32, #tpu.memory_space<vmem>> -> memref<64x64xf32, #tpu.memory_space<vmem>>
      tpu.wait_dma2 semaphore(%arg17 : memref<!tpu.dma_semaphore, #tpu.memory_space<semaphore_mem>>) src(%dma_wait3A_811 : memref<64x64xf32, #tpu.memory_space<vmem>>) dst(%dma_wait3A_807 : memref<64x64xf32, #tpu.memory_space<hbm>>)
      %lt3A_812 = arith.constant 24 : i32
      %lt3A_813 = arith.cmpi slt, %scan3A_231, %lt3A_812 : i32
      %convert_element_type3A_814 = arith.extui %lt3A_813 : i1 to i32
      %cond3A_815 = arith.constant 0 : i32
      %cond3A_816 = arith.cmpi ne, %convert_element_type3A_814, %cond3A_815 : i32
      scf.if %cond3A_816 {
        %add3A_982 = arith.constant 8 : i32
        %add3A_983 = arith.addi %mul3A_233, %add3A_982 : i32
        %add3A_984 = arith.constant 2 : i32
        %add3A_985 = arith.addi %add3A_983, %add3A_984 : i32
        %dma_start3A_986 = arith.constant 0 : i32
        %dma_start3A_987 = arith.constant 0 : i32
        %dma_start3A_988 = arith.constant 2 : i32
        %dma_start3A_989 = arith.constant 0 : i32
        %dma_start3A_990 = arith.constant 0 : i32
        %dma_start3A_991 = tpu.memref_slice %arg6[%dma_start3A_987, %dma_start3A_988, %dma_start3A_989, %dma_start3A_990] : memref<2x8x64x64xf32, #tpu.memory_space<vmem>> -> memref<1x1x64x64xf32, #tpu.memory_space<vmem>>
        %dma_start3A_992 = tpu.memref_squeeze %dma_start3A_991 : memref<1x1x64x64xf32, #tpu.memory_space<vmem>> -> memref<64x64xf32, #tpu.memory_space<vmem>>
        %dma_start3A_993 = arith.constant 0 : i32
        %dma_start3A_994 = tpu.memref_slice %arg5[%add3A_985, %dma_start3A_986, %dma_start3A_993] : memref<200x2x64xi32, #tpu.memory_space<vmem>> -> memref<1x1x64xi32, #tpu.memory_space<vmem>>
        %dma_start3A_995 = tpu.memref_squeeze %dma_start3A_994 : memref<1x1x64xi32, #tpu.memory_space<vmem>> -> memref<64xi32, #tpu.memory_space<vmem>>
        %dma_start3A_996 = arith.constant 0 : i32
        %dma_start3A_997 = arith.constant 0 : i32
        %dma_start3A_998 = tpu.memref_slice %arg3[%dma_start3A_996, %dma_start3A_997] : memref<8192x64xf32, #tpu.memory_space<hbm>> -> memref<8192x64xf32, #tpu.memory_space<hbm>>
        tpu.enqueue_indirect_dma source(%dma_start3A_998 : memref<8192x64xf32, #tpu.memory_space<hbm>>) target(%dma_start3A_992 : memref<64x64xf32, #tpu.memory_space<vmem>>) offsets(%dma_start3A_995 : memref<64xi32, #tpu.memory_space<vmem>>) semaphore(%arg9 : memref<!tpu.dma_semaphore, #tpu.memory_space<semaphore_mem>>)
        %dma_start3A_999 = arith.constant 1 : i32
        %dma_start3A_1000 = arith.constant 1 : i32
        %dma_start3A_1001 = arith.constant 2 : i32
        %dma_start3A_1002 = arith.constant 0 : i32
        %dma_start3A_1003 = arith.constant 0 : i32
        %dma_start3A_1004 = tpu.memref_slice %arg6[%dma_start3A_1000, %dma_start3A_1001, %dma_start3A_1002, %dma_start3A_1003] : memref<2x8x64x64xf32, #tpu.memory_space<vmem>> -> memref<1x1x64x64xf32, #tpu.memory_space<vmem>>
        %dma_start3A_1005 = tpu.memref_squeeze %dma_start3A_1004 : memref<1x1x64x64xf32, #tpu.memory_space<vmem>> -> memref<64x64xf32, #tpu.memory_space<vmem>>
        %dma_start3A_1006 = arith.constant 0 : i32
        %dma_start3A_1007 = tpu.memref_slice %arg5[%add3A_985, %dma_start3A_999, %dma_start3A_1006] : memref<200x2x64xi32, #tpu.memory_space<vmem>> -> memref<1x1x64xi32, #tpu.memory_space<vmem>>
        %dma_start3A_1008 = tpu.memref_squeeze %dma_start3A_1007 : memref<1x1x64xi32, #tpu.memory_space<vmem>> -> memref<64xi32, #tpu.memory_space<vmem>>
        %dma_start3A_1009 = arith.constant 0 : i32
        %dma_start3A_1010 = arith.constant 0 : i32
        %dma_start3A_1011 = tpu.memref_slice %arg3[%dma_start3A_1009, %dma_start3A_1010] : memref<8192x64xf32, #tpu.memory_space<hbm>> -> memref<8192x64xf32, #tpu.memory_space<hbm>>
        tpu.enqueue_indirect_dma source(%dma_start3A_1011 : memref<8192x64xf32, #tpu.memory_space<hbm>>) target(%dma_start3A_1005 : memref<64x64xf32, #tpu.memory_space<vmem>>) offsets(%dma_start3A_1008 : memref<64xi32, #tpu.memory_space<vmem>>) semaphore(%arg9 : memref<!tpu.dma_semaphore, #tpu.memory_space<semaphore_mem>>)
      } else {
      }
      %dma_wait3A_817 = arith.constant 0 : i32
      %dma_wait3A_818 = arith.constant 3 : i32
      %dma_wait3A_819 = arith.constant 0 : i32
      %dma_wait3A_820 = arith.constant 0 : i32
      %dma_wait3A_821 = tpu.memref_slice %arg6[%dma_wait3A_817, %dma_wait3A_818, %dma_wait3A_819, %dma_wait3A_820] : memref<2x8x64x64xf32, #tpu.memory_space<vmem>> -> memref<1x1x64x64xf32, #tpu.memory_space<vmem>>
      %dma_wait3A_822 = tpu.memref_squeeze %dma_wait3A_821 : memref<1x1x64x64xf32, #tpu.memory_space<vmem>> -> memref<64x64xf32, #tpu.memory_space<vmem>>
      %dma_wait3A_823 = arith.constant 0 : i32
      %dma_wait3A_824 = tpu.memref_slice %arg4[%mul3A_2, %dma_wait3A_823] : memref<409600x128xf32, #tpu.memory_space<hbm>> -> memref<64x64xf32, #tpu.memory_space<hbm>>
      %dma_wait3A_825 = arith.constant 0 : i32
      %dma_wait3A_826 = tpu.memref_slice %arg4[%mul3A_2, %dma_wait3A_825] : memref<409600x128xf32, #tpu.memory_space<hbm>> -> memref<64x64xf32, #tpu.memory_space<hbm>>
      %dma_wait3A_827 = arith.constant 0 : i32
      %dma_wait3A_828 = arith.constant 0 : i32
      %dma_wait3A_829 = tpu.memref_slice %arg6[%dma_wait3A_817, %dma_wait3A_818, %dma_wait3A_827, %dma_wait3A_828] : memref<2x8x64x64xf32, #tpu.memory_space<vmem>> -> memref<1x1x64x64xf32, #tpu.memory_space<vmem>>
      %dma_wait3A_830 = tpu.memref_squeeze %dma_wait3A_829 : memref<1x1x64x64xf32, #tpu.memory_space<vmem>> -> memref<64x64xf32, #tpu.memory_space<vmem>>
      tpu.wait_dma2 semaphore(%arg18 : memref<!tpu.dma_semaphore, #tpu.memory_space<semaphore_mem>>) src(%dma_wait3A_830 : memref<64x64xf32, #tpu.memory_space<vmem>>) dst(%dma_wait3A_826 : memref<64x64xf32, #tpu.memory_space<hbm>>)
      %dma_wait3A_831 = arith.constant 1 : i32
      %dma_wait3A_832 = arith.constant 3 : i32
      %dma_wait3A_833 = arith.constant 0 : i32
      %dma_wait3A_834 = arith.constant 0 : i32
      %dma_wait3A_835 = tpu.memref_slice %arg6[%dma_wait3A_831, %dma_wait3A_832, %dma_wait3A_833, %dma_wait3A_834] : memref<2x8x64x64xf32, #tpu.memory_space<vmem>> -> memref<1x1x64x64xf32, #tpu.memory_space<vmem>>
      %dma_wait3A_836 = tpu.memref_squeeze %dma_wait3A_835 : memref<1x1x64x64xf32, #tpu.memory_space<vmem>> -> memref<64x64xf32, #tpu.memory_space<vmem>>
      %dma_wait3A_837 = arith.constant 64 : i32
      %dma_wait3A_838 = tpu.memref_slice %arg4[%mul3A_2, %dma_wait3A_837] : memref<409600x128xf32, #tpu.memory_space<hbm>> -> memref<64x64xf32, #tpu.memory_space<hbm>>
      %dma_wait3A_839 = arith.constant 64 : i32
      %dma_wait3A_840 = tpu.memref_slice %arg4[%mul3A_2, %dma_wait3A_839] : memref<409600x128xf32, #tpu.memory_space<hbm>> -> memref<64x64xf32, #tpu.memory_space<hbm>>
      %dma_wait3A_841 = arith.constant 0 : i32
      %dma_wait3A_842 = arith.constant 0 : i32
      %dma_wait3A_843 = tpu.memref_slice %arg6[%dma_wait3A_831, %dma_wait3A_832, %dma_wait3A_841, %dma_wait3A_842] : memref<2x8x64x64xf32, #tpu.memory_space<vmem>> -> memref<1x1x64x64xf32, #tpu.memory_space<vmem>>
      %dma_wait3A_844 = tpu.memref_squeeze %dma_wait3A_843 : memref<1x1x64x64xf32, #tpu.memory_space<vmem>> -> memref<64x64xf32, #tpu.memory_space<vmem>>
      tpu.wait_dma2 semaphore(%arg18 : memref<!tpu.dma_semaphore, #tpu.memory_space<semaphore_mem>>) src(%dma_wait3A_844 : memref<64x64xf32, #tpu.memory_space<vmem>>) dst(%dma_wait3A_840 : memref<64x64xf32, #tpu.memory_space<hbm>>)
      %lt3A_845 = arith.constant 24 : i32
      %lt3A_846 = arith.cmpi slt, %scan3A_231, %lt3A_845 : i32
      %convert_element_type3A_847 = arith.extui %lt3A_846 : i1 to i32
      %cond3A_848 = arith.constant 0 : i32
      %cond3A_849 = arith.cmpi ne, %convert_element_type3A_847, %cond3A_848 : i32
      scf.if %cond3A_849 {
        %add3A_982 = arith.constant 8 : i32
        %add3A_983 = arith.addi %mul3A_233, %add3A_982 : i32
        %add3A_984 = arith.constant 3 : i32
        %add3A_985 = arith.addi %add3A_983, %add3A_984 : i32
        %dma_start3A_986 = arith.constant 0 : i32
        %dma_start3A_987 = arith.constant 0 : i32
        %dma_start3A_988 = arith.constant 3 : i32
        %dma_start3A_989 = arith.constant 0 : i32
        %dma_start3A_990 = arith.constant 0 : i32
        %dma_start3A_991 = tpu.memref_slice %arg6[%dma_start3A_987, %dma_start3A_988, %dma_start3A_989, %dma_start3A_990] : memref<2x8x64x64xf32, #tpu.memory_space<vmem>> -> memref<1x1x64x64xf32, #tpu.memory_space<vmem>>
        %dma_start3A_992 = tpu.memref_squeeze %dma_start3A_991 : memref<1x1x64x64xf32, #tpu.memory_space<vmem>> -> memref<64x64xf32, #tpu.memory_space<vmem>>
        %dma_start3A_993 = arith.constant 0 : i32
        %dma_start3A_994 = tpu.memref_slice %arg5[%add3A_985, %dma_start3A_986, %dma_start3A_993] : memref<200x2x64xi32, #tpu.memory_space<vmem>> -> memref<1x1x64xi32, #tpu.memory_space<vmem>>
        %dma_start3A_995 = tpu.memref_squeeze %dma_start3A_994 : memref<1x1x64xi32, #tpu.memory_space<vmem>> -> memref<64xi32, #tpu.memory_space<vmem>>
        %dma_start3A_996 = arith.constant 0 : i32
        %dma_start3A_997 = arith.constant 0 : i32
        %dma_start3A_998 = tpu.memref_slice %arg3[%dma_start3A_996, %dma_start3A_997] : memref<8192x64xf32, #tpu.memory_space<hbm>> -> memref<8192x64xf32, #tpu.memory_space<hbm>>
        tpu.enqueue_indirect_dma source(%dma_start3A_998 : memref<8192x64xf32, #tpu.memory_space<hbm>>) target(%dma_start3A_992 : memref<64x64xf32, #tpu.memory_space<vmem>>) offsets(%dma_start3A_995 : memref<64xi32, #tpu.memory_space<vmem>>) semaphore(%arg10 : memref<!tpu.dma_semaphore, #tpu.memory_space<semaphore_mem>>)
        %dma_start3A_999 = arith.constant 1 : i32
        %dma_start3A_1000 = arith.constant 1 : i32
        %dma_start3A_1001 = arith.constant 3 : i32
        %dma_start3A_1002 = arith.constant 0 : i32
        %dma_start3A_1003 = arith.constant 0 : i32
        %dma_start3A_1004 = tpu.memref_slice %arg6[%dma_start3A_1000, %dma_start3A_1001, %dma_start3A_1002, %dma_start3A_1003] : memref<2x8x64x64xf32, #tpu.memory_space<vmem>> -> memref<1x1x64x64xf32, #tpu.memory_space<vmem>>
        %dma_start3A_1005 = tpu.memref_squeeze %dma_start3A_1004 : memref<1x1x64x64xf32, #tpu.memory_space<vmem>> -> memref<64x64xf32, #tpu.memory_space<vmem>>
        %dma_start3A_1006 = arith.constant 0 : i32
        %dma_start3A_1007 = tpu.memref_slice %arg5[%add3A_985, %dma_start3A_999, %dma_start3A_1006] : memref<200x2x64xi32, #tpu.memory_space<vmem>> -> memref<1x1x64xi32, #tpu.memory_space<vmem>>
        %dma_start3A_1008 = tpu.memref_squeeze %dma_start3A_1007 : memref<1x1x64xi32, #tpu.memory_space<vmem>> -> memref<64xi32, #tpu.memory_space<vmem>>
        %dma_start3A_1009 = arith.constant 0 : i32
        %dma_start3A_1010 = arith.constant 0 : i32
        %dma_start3A_1011 = tpu.memref_slice %arg3[%dma_start3A_1009, %dma_start3A_1010] : memref<8192x64xf32, #tpu.memory_space<hbm>> -> memref<8192x64xf32, #tpu.memory_space<hbm>>
        tpu.enqueue_indirect_dma source(%dma_start3A_1011 : memref<8192x64xf32, #tpu.memory_space<hbm>>) target(%dma_start3A_1005 : memref<64x64xf32, #tpu.memory_space<vmem>>) offsets(%dma_start3A_1008 : memref<64xi32, #tpu.memory_space<vmem>>) semaphore(%arg10 : memref<!tpu.dma_semaphore, #tpu.memory_space<semaphore_mem>>)
      } else {
      }
      %dma_wait3A_850 = arith.constant 0 : i32
      %dma_wait3A_851 = arith.constant 4 : i32
      %dma_wait3A_852 = arith.constant 0 : i32
      %dma_wait3A_853 = arith.constant 0 : i32
      %dma_wait3A_854 = tpu.memref_slice %arg6[%dma_wait3A_850, %dma_wait3A_851, %dma_wait3A_852, %dma_wait3A_853] : memref<2x8x64x64xf32, #tpu.memory_space<vmem>> -> memref<1x1x64x64xf32, #tpu.memory_space<vmem>>
      %dma_wait3A_855 = tpu.memref_squeeze %dma_wait3A_854 : memref<1x1x64x64xf32, #tpu.memory_space<vmem>> -> memref<64x64xf32, #tpu.memory_space<vmem>>
      %dma_wait3A_856 = arith.constant 0 : i32
      %dma_wait3A_857 = tpu.memref_slice %arg4[%mul3A_2, %dma_wait3A_856] : memref<409600x128xf32, #tpu.memory_space<hbm>> -> memref<64x64xf32, #tpu.memory_space<hbm>>
      %dma_wait3A_858 = arith.constant 0 : i32
      %dma_wait3A_859 = tpu.memref_slice %arg4[%mul3A_2, %dma_wait3A_858] : memref<409600x128xf32, #tpu.memory_space<hbm>> -> memref<64x64xf32, #tpu.memory_space<hbm>>
      %dma_wait3A_860 = arith.constant 0 : i32
      %dma_wait3A_861 = arith.constant 0 : i32
      %dma_wait3A_862 = tpu.memref_slice %arg6[%dma_wait3A_850, %dma_wait3A_851, %dma_wait3A_860, %dma_wait3A_861] : memref<2x8x64x64xf32, #tpu.memory_space<vmem>> -> memref<1x1x64x64xf32, #tpu.memory_space<vmem>>
      %dma_wait3A_863 = tpu.memref_squeeze %dma_wait3A_862 : memref<1x1x64x64xf32, #tpu.memory_space<vmem>> -> memref<64x64xf32, #tpu.memory_space<vmem>>
      tpu.wait_dma2 semaphore(%arg19 : memref<!tpu.dma_semaphore, #tpu.memory_space<semaphore_mem>>) src(%dma_wait3A_863 : memref<64x64xf32, #tpu.memory_space<vmem>>) dst(%dma_wait3A_859 : memref<64x64xf32, #tpu.memory_space<hbm>>)
      %dma_wait3A_864 = arith.constant 1 : i32
      %dma_wait3A_865 = arith.constant 4 : i32
      %dma_wait3A_866 = arith.constant 0 : i32
      %dma_wait3A_867 = arith.constant 0 : i32
      %dma_wait3A_868 = tpu.memref_slice %arg6[%dma_wait3A_864, %dma_wait3A_865, %dma_wait3A_866, %dma_wait3A_867] : memref<2x8x64x64xf32, #tpu.memory_space<vmem>> -> memref<1x1x64x64xf32, #tpu.memory_space<vmem>>
      %dma_wait3A_869 = tpu.memref_squeeze %dma_wait3A_868 : memref<1x1x64x64xf32, #tpu.memory_space<vmem>> -> memref<64x64xf32, #tpu.memory_space<vmem>>
      %dma_wait3A_870 = arith.constant 64 : i32
      %dma_wait3A_871 = tpu.memref_slice %arg4[%mul3A_2, %dma_wait3A_870] : memref<409600x128xf32, #tpu.memory_space<hbm>> -> memref<64x64xf32, #tpu.memory_space<hbm>>
      %dma_wait3A_872 = arith.constant 64 : i32
      %dma_wait3A_873 = tpu.memref_slice %arg4[%mul3A_2, %dma_wait3A_872] : memref<409600x128xf32, #tpu.memory_space<hbm>> -> memref<64x64xf32, #tpu.memory_space<hbm>>
      %dma_wait3A_874 = arith.constant 0 : i32
      %dma_wait3A_875 = arith.constant 0 : i32
      %dma_wait3A_876 = tpu.memref_slice %arg6[%dma_wait3A_864, %dma_wait3A_865, %dma_wait3A_874, %dma_wait3A_875] : memref<2x8x64x64xf32, #tpu.memory_space<vmem>> -> memref<1x1x64x64xf32, #tpu.memory_space<vmem>>
      %dma_wait3A_877 = tpu.memref_squeeze %dma_wait3A_876 : memref<1x1x64x64xf32, #tpu.memory_space<vmem>> -> memref<64x64xf32, #tpu.memory_space<vmem>>
      tpu.wait_dma2 semaphore(%arg19 : memref<!tpu.dma_semaphore, #tpu.memory_space<semaphore_mem>>) src(%dma_wait3A_877 : memref<64x64xf32, #tpu.memory_space<vmem>>) dst(%dma_wait3A_873 : memref<64x64xf32, #tpu.memory_space<hbm>>)
      %lt3A_878 = arith.constant 24 : i32
      %lt3A_879 = arith.cmpi slt, %scan3A_231, %lt3A_878 : i32
      %convert_element_type3A_880 = arith.extui %lt3A_879 : i1 to i32
      %cond3A_881 = arith.constant 0 : i32
      %cond3A_882 = arith.cmpi ne, %convert_element_type3A_880, %cond3A_881 : i32
      scf.if %cond3A_882 {
        %add3A_982 = arith.constant 8 : i32
        %add3A_983 = arith.addi %mul3A_233, %add3A_982 : i32
        %add3A_984 = arith.constant 4 : i32
        %add3A_985 = arith.addi %add3A_983, %add3A_984 : i32
        %dma_start3A_986 = arith.constant 0 : i32
        %dma_start3A_987 = arith.constant 0 : i32
        %dma_start3A_988 = arith.constant 4 : i32
        %dma_start3A_989 = arith.constant 0 : i32
        %dma_start3A_990 = arith.constant 0 : i32
        %dma_start3A_991 = tpu.memref_slice %arg6[%dma_start3A_987, %dma_start3A_988, %dma_start3A_989, %dma_start3A_990] : memref<2x8x64x64xf32, #tpu.memory_space<vmem>> -> memref<1x1x64x64xf32, #tpu.memory_space<vmem>>
        %dma_start3A_992 = tpu.memref_squeeze %dma_start3A_991 : memref<1x1x64x64xf32, #tpu.memory_space<vmem>> -> memref<64x64xf32, #tpu.memory_space<vmem>>
        %dma_start3A_993 = arith.constant 0 : i32
        %dma_start3A_994 = tpu.memref_slice %arg5[%add3A_985, %dma_start3A_986, %dma_start3A_993] : memref<200x2x64xi32, #tpu.memory_space<vmem>> -> memref<1x1x64xi32, #tpu.memory_space<vmem>>
        %dma_start3A_995 = tpu.memref_squeeze %dma_start3A_994 : memref<1x1x64xi32, #tpu.memory_space<vmem>> -> memref<64xi32, #tpu.memory_space<vmem>>
        %dma_start3A_996 = arith.constant 0 : i32
        %dma_start3A_997 = arith.constant 0 : i32
        %dma_start3A_998 = tpu.memref_slice %arg3[%dma_start3A_996, %dma_start3A_997] : memref<8192x64xf32, #tpu.memory_space<hbm>> -> memref<8192x64xf32, #tpu.memory_space<hbm>>
        tpu.enqueue_indirect_dma source(%dma_start3A_998 : memref<8192x64xf32, #tpu.memory_space<hbm>>) target(%dma_start3A_992 : memref<64x64xf32, #tpu.memory_space<vmem>>) offsets(%dma_start3A_995 : memref<64xi32, #tpu.memory_space<vmem>>) semaphore(%arg11 : memref<!tpu.dma_semaphore, #tpu.memory_space<semaphore_mem>>)
        %dma_start3A_999 = arith.constant 1 : i32
        %dma_start3A_1000 = arith.constant 1 : i32
        %dma_start3A_1001 = arith.constant 4 : i32
        %dma_start3A_1002 = arith.constant 0 : i32
        %dma_start3A_1003 = arith.constant 0 : i32
        %dma_start3A_1004 = tpu.memref_slice %arg6[%dma_start3A_1000, %dma_start3A_1001, %dma_start3A_1002, %dma_start3A_1003] : memref<2x8x64x64xf32, #tpu.memory_space<vmem>> -> memref<1x1x64x64xf32, #tpu.memory_space<vmem>>
        %dma_start3A_1005 = tpu.memref_squeeze %dma_start3A_1004 : memref<1x1x64x64xf32, #tpu.memory_space<vmem>> -> memref<64x64xf32, #tpu.memory_space<vmem>>
        %dma_start3A_1006 = arith.constant 0 : i32
        %dma_start3A_1007 = tpu.memref_slice %arg5[%add3A_985, %dma_start3A_999, %dma_start3A_1006] : memref<200x2x64xi32, #tpu.memory_space<vmem>> -> memref<1x1x64xi32, #tpu.memory_space<vmem>>
        %dma_start3A_1008 = tpu.memref_squeeze %dma_start3A_1007 : memref<1x1x64xi32, #tpu.memory_space<vmem>> -> memref<64xi32, #tpu.memory_space<vmem>>
        %dma_start3A_1009 = arith.constant 0 : i32
        %dma_start3A_1010 = arith.constant 0 : i32
        %dma_start3A_1011 = tpu.memref_slice %arg3[%dma_start3A_1009, %dma_start3A_1010] : memref<8192x64xf32, #tpu.memory_space<hbm>> -> memref<8192x64xf32, #tpu.memory_space<hbm>>
        tpu.enqueue_indirect_dma source(%dma_start3A_1011 : memref<8192x64xf32, #tpu.memory_space<hbm>>) target(%dma_start3A_1005 : memref<64x64xf32, #tpu.memory_space<vmem>>) offsets(%dma_start3A_1008 : memref<64xi32, #tpu.memory_space<vmem>>) semaphore(%arg11 : memref<!tpu.dma_semaphore, #tpu.memory_space<semaphore_mem>>)
      } else {
      }
      %dma_wait3A_883 = arith.constant 0 : i32
      %dma_wait3A_884 = arith.constant 5 : i32
      %dma_wait3A_885 = arith.constant 0 : i32
      %dma_wait3A_886 = arith.constant 0 : i32
      %dma_wait3A_887 = tpu.memref_slice %arg6[%dma_wait3A_883, %dma_wait3A_884, %dma_wait3A_885, %dma_wait3A_886] : memref<2x8x64x64xf32, #tpu.memory_space<vmem>> -> memref<1x1x64x64xf32, #tpu.memory_space<vmem>>
      %dma_wait3A_888 = tpu.memref_squeeze %dma_wait3A_887 : memref<1x1x64x64xf32, #tpu.memory_space<vmem>> -> memref<64x64xf32, #tpu.memory_space<vmem>>
      %dma_wait3A_889 = arith.constant 0 : i32
      %dma_wait3A_890 = tpu.memref_slice %arg4[%mul3A_2, %dma_wait3A_889] : memref<409600x128xf32, #tpu.memory_space<hbm>> -> memref<64x64xf32, #tpu.memory_space<hbm>>
      %dma_wait3A_891 = arith.constant 0 : i32
      %dma_wait3A_892 = tpu.memref_slice %arg4[%mul3A_2, %dma_wait3A_891] : memref<409600x128xf32, #tpu.memory_space<hbm>> -> memref<64x64xf32, #tpu.memory_space<hbm>>
      %dma_wait3A_893 = arith.constant 0 : i32
      %dma_wait3A_894 = arith.constant 0 : i32
      %dma_wait3A_895 = tpu.memref_slice %arg6[%dma_wait3A_883, %dma_wait3A_884, %dma_wait3A_893, %dma_wait3A_894] : memref<2x8x64x64xf32, #tpu.memory_space<vmem>> -> memref<1x1x64x64xf32, #tpu.memory_space<vmem>>
      %dma_wait3A_896 = tpu.memref_squeeze %dma_wait3A_895 : memref<1x1x64x64xf32, #tpu.memory_space<vmem>> -> memref<64x64xf32, #tpu.memory_space<vmem>>
      tpu.wait_dma2 semaphore(%arg20 : memref<!tpu.dma_semaphore, #tpu.memory_space<semaphore_mem>>) src(%dma_wait3A_896 : memref<64x64xf32, #tpu.memory_space<vmem>>) dst(%dma_wait3A_892 : memref<64x64xf32, #tpu.memory_space<hbm>>)
      %dma_wait3A_897 = arith.constant 1 : i32
      %dma_wait3A_898 = arith.constant 5 : i32
      %dma_wait3A_899 = arith.constant 0 : i32
      %dma_wait3A_900 = arith.constant 0 : i32
      %dma_wait3A_901 = tpu.memref_slice %arg6[%dma_wait3A_897, %dma_wait3A_898, %dma_wait3A_899, %dma_wait3A_900] : memref<2x8x64x64xf32, #tpu.memory_space<vmem>> -> memref<1x1x64x64xf32, #tpu.memory_space<vmem>>
      %dma_wait3A_902 = tpu.memref_squeeze %dma_wait3A_901 : memref<1x1x64x64xf32, #tpu.memory_space<vmem>> -> memref<64x64xf32, #tpu.memory_space<vmem>>
      %dma_wait3A_903 = arith.constant 64 : i32
      %dma_wait3A_904 = tpu.memref_slice %arg4[%mul3A_2, %dma_wait3A_903] : memref<409600x128xf32, #tpu.memory_space<hbm>> -> memref<64x64xf32, #tpu.memory_space<hbm>>
      %dma_wait3A_905 = arith.constant 64 : i32
      %dma_wait3A_906 = tpu.memref_slice %arg4[%mul3A_2, %dma_wait3A_905] : memref<409600x128xf32, #tpu.memory_space<hbm>> -> memref<64x64xf32, #tpu.memory_space<hbm>>
      %dma_wait3A_907 = arith.constant 0 : i32
      %dma_wait3A_908 = arith.constant 0 : i32
      %dma_wait3A_909 = tpu.memref_slice %arg6[%dma_wait3A_897, %dma_wait3A_898, %dma_wait3A_907, %dma_wait3A_908] : memref<2x8x64x64xf32, #tpu.memory_space<vmem>> -> memref<1x1x64x64xf32, #tpu.memory_space<vmem>>
      %dma_wait3A_910 = tpu.memref_squeeze %dma_wait3A_909 : memref<1x1x64x64xf32, #tpu.memory_space<vmem>> -> memref<64x64xf32, #tpu.memory_space<vmem>>
      tpu.wait_dma2 semaphore(%arg20 : memref<!tpu.dma_semaphore, #tpu.memory_space<semaphore_mem>>) src(%dma_wait3A_910 : memref<64x64xf32, #tpu.memory_space<vmem>>) dst(%dma_wait3A_906 : memref<64x64xf32, #tpu.memory_space<hbm>>)
      %lt3A_911 = arith.constant 24 : i32
      %lt3A_912 = arith.cmpi slt, %scan3A_231, %lt3A_911 : i32
      %convert_element_type3A_913 = arith.extui %lt3A_912 : i1 to i32
      %cond3A_914 = arith.constant 0 : i32
      %cond3A_915 = arith.cmpi ne, %convert_element_type3A_913, %cond3A_914 : i32
      scf.if %cond3A_915 {
        %add3A_982 = arith.constant 8 : i32
        %add3A_983 = arith.addi %mul3A_233, %add3A_982 : i32
        %add3A_984 = arith.constant 5 : i32
        %add3A_985 = arith.addi %add3A_983, %add3A_984 : i32
        %dma_start3A_986 = arith.constant 0 : i32
        %dma_start3A_987 = arith.constant 0 : i32
        %dma_start3A_988 = arith.constant 5 : i32
        %dma_start3A_989 = arith.constant 0 : i32
        %dma_start3A_990 = arith.constant 0 : i32
        %dma_start3A_991 = tpu.memref_slice %arg6[%dma_start3A_987, %dma_start3A_988, %dma_start3A_989, %dma_start3A_990] : memref<2x8x64x64xf32, #tpu.memory_space<vmem>> -> memref<1x1x64x64xf32, #tpu.memory_space<vmem>>
        %dma_start3A_992 = tpu.memref_squeeze %dma_start3A_991 : memref<1x1x64x64xf32, #tpu.memory_space<vmem>> -> memref<64x64xf32, #tpu.memory_space<vmem>>
        %dma_start3A_993 = arith.constant 0 : i32
        %dma_start3A_994 = tpu.memref_slice %arg5[%add3A_985, %dma_start3A_986, %dma_start3A_993] : memref<200x2x64xi32, #tpu.memory_space<vmem>> -> memref<1x1x64xi32, #tpu.memory_space<vmem>>
        %dma_start3A_995 = tpu.memref_squeeze %dma_start3A_994 : memref<1x1x64xi32, #tpu.memory_space<vmem>> -> memref<64xi32, #tpu.memory_space<vmem>>
        %dma_start3A_996 = arith.constant 0 : i32
        %dma_start3A_997 = arith.constant 0 : i32
        %dma_start3A_998 = tpu.memref_slice %arg3[%dma_start3A_996, %dma_start3A_997] : memref<8192x64xf32, #tpu.memory_space<hbm>> -> memref<8192x64xf32, #tpu.memory_space<hbm>>
        tpu.enqueue_indirect_dma source(%dma_start3A_998 : memref<8192x64xf32, #tpu.memory_space<hbm>>) target(%dma_start3A_992 : memref<64x64xf32, #tpu.memory_space<vmem>>) offsets(%dma_start3A_995 : memref<64xi32, #tpu.memory_space<vmem>>) semaphore(%arg12 : memref<!tpu.dma_semaphore, #tpu.memory_space<semaphore_mem>>)
        %dma_start3A_999 = arith.constant 1 : i32
        %dma_start3A_1000 = arith.constant 1 : i32
        %dma_start3A_1001 = arith.constant 5 : i32
        %dma_start3A_1002 = arith.constant 0 : i32
        %dma_start3A_1003 = arith.constant 0 : i32
        %dma_start3A_1004 = tpu.memref_slice %arg6[%dma_start3A_1000, %dma_start3A_1001, %dma_start3A_1002, %dma_start3A_1003] : memref<2x8x64x64xf32, #tpu.memory_space<vmem>> -> memref<1x1x64x64xf32, #tpu.memory_space<vmem>>
        %dma_start3A_1005 = tpu.memref_squeeze %dma_start3A_1004 : memref<1x1x64x64xf32, #tpu.memory_space<vmem>> -> memref<64x64xf32, #tpu.memory_space<vmem>>
        %dma_start3A_1006 = arith.constant 0 : i32
        %dma_start3A_1007 = tpu.memref_slice %arg5[%add3A_985, %dma_start3A_999, %dma_start3A_1006] : memref<200x2x64xi32, #tpu.memory_space<vmem>> -> memref<1x1x64xi32, #tpu.memory_space<vmem>>
        %dma_start3A_1008 = tpu.memref_squeeze %dma_start3A_1007 : memref<1x1x64xi32, #tpu.memory_space<vmem>> -> memref<64xi32, #tpu.memory_space<vmem>>
        %dma_start3A_1009 = arith.constant 0 : i32
        %dma_start3A_1010 = arith.constant 0 : i32
        %dma_start3A_1011 = tpu.memref_slice %arg3[%dma_start3A_1009, %dma_start3A_1010] : memref<8192x64xf32, #tpu.memory_space<hbm>> -> memref<8192x64xf32, #tpu.memory_space<hbm>>
        tpu.enqueue_indirect_dma source(%dma_start3A_1011 : memref<8192x64xf32, #tpu.memory_space<hbm>>) target(%dma_start3A_1005 : memref<64x64xf32, #tpu.memory_space<vmem>>) offsets(%dma_start3A_1008 : memref<64xi32, #tpu.memory_space<vmem>>) semaphore(%arg12 : memref<!tpu.dma_semaphore, #tpu.memory_space<semaphore_mem>>)
      } else {
      }
      %dma_wait3A_916 = arith.constant 0 : i32
      %dma_wait3A_917 = arith.constant 6 : i32
      %dma_wait3A_918 = arith.constant 0 : i32
      %dma_wait3A_919 = arith.constant 0 : i32
      %dma_wait3A_920 = tpu.memref_slice %arg6[%dma_wait3A_916, %dma_wait3A_917, %dma_wait3A_918, %dma_wait3A_919] : memref<2x8x64x64xf32, #tpu.memory_space<vmem>> -> memref<1x1x64x64xf32, #tpu.memory_space<vmem>>
      %dma_wait3A_921 = tpu.memref_squeeze %dma_wait3A_920 : memref<1x1x64x64xf32, #tpu.memory_space<vmem>> -> memref<64x64xf32, #tpu.memory_space<vmem>>
      %dma_wait3A_922 = arith.constant 0 : i32
      %dma_wait3A_923 = tpu.memref_slice %arg4[%mul3A_2, %dma_wait3A_922] : memref<409600x128xf32, #tpu.memory_space<hbm>> -> memref<64x64xf32, #tpu.memory_space<hbm>>
      %dma_wait3A_924 = arith.constant 0 : i32
      %dma_wait3A_925 = tpu.memref_slice %arg4[%mul3A_2, %dma_wait3A_924] : memref<409600x128xf32, #tpu.memory_space<hbm>> -> memref<64x64xf32, #tpu.memory_space<hbm>>
      %dma_wait3A_926 = arith.constant 0 : i32
      %dma_wait3A_927 = arith.constant 0 : i32
      %dma_wait3A_928 = tpu.memref_slice %arg6[%dma_wait3A_916, %dma_wait3A_917, %dma_wait3A_926, %dma_wait3A_927] : memref<2x8x64x64xf32, #tpu.memory_space<vmem>> -> memref<1x1x64x64xf32, #tpu.memory_space<vmem>>
      %dma_wait3A_929 = tpu.memref_squeeze %dma_wait3A_928 : memref<1x1x64x64xf32, #tpu.memory_space<vmem>> -> memref<64x64xf32, #tpu.memory_space<vmem>>
      tpu.wait_dma2 semaphore(%arg21 : memref<!tpu.dma_semaphore, #tpu.memory_space<semaphore_mem>>) src(%dma_wait3A_929 : memref<64x64xf32, #tpu.memory_space<vmem>>) dst(%dma_wait3A_925 : memref<64x64xf32, #tpu.memory_space<hbm>>)
      %dma_wait3A_930 = arith.constant 1 : i32
      %dma_wait3A_931 = arith.constant 6 : i32
      %dma_wait3A_932 = arith.constant 0 : i32
      %dma_wait3A_933 = arith.constant 0 : i32
      %dma_wait3A_934 = tpu.memref_slice %arg6[%dma_wait3A_930, %dma_wait3A_931, %dma_wait3A_932, %dma_wait3A_933] : memref<2x8x64x64xf32, #tpu.memory_space<vmem>> -> memref<1x1x64x64xf32, #tpu.memory_space<vmem>>
      %dma_wait3A_935 = tpu.memref_squeeze %dma_wait3A_934 : memref<1x1x64x64xf32, #tpu.memory_space<vmem>> -> memref<64x64xf32, #tpu.memory_space<vmem>>
      %dma_wait3A_936 = arith.constant 64 : i32
      %dma_wait3A_937 = tpu.memref_slice %arg4[%mul3A_2, %dma_wait3A_936] : memref<409600x128xf32, #tpu.memory_space<hbm>> -> memref<64x64xf32, #tpu.memory_space<hbm>>
      %dma_wait3A_938 = arith.constant 64 : i32
      %dma_wait3A_939 = tpu.memref_slice %arg4[%mul3A_2, %dma_wait3A_938] : memref<409600x128xf32, #tpu.memory_space<hbm>> -> memref<64x64xf32, #tpu.memory_space<hbm>>
      %dma_wait3A_940 = arith.constant 0 : i32
      %dma_wait3A_941 = arith.constant 0 : i32
      %dma_wait3A_942 = tpu.memref_slice %arg6[%dma_wait3A_930, %dma_wait3A_931, %dma_wait3A_940, %dma_wait3A_941] : memref<2x8x64x64xf32, #tpu.memory_space<vmem>> -> memref<1x1x64x64xf32, #tpu.memory_space<vmem>>
      %dma_wait3A_943 = tpu.memref_squeeze %dma_wait3A_942 : memref<1x1x64x64xf32, #tpu.memory_space<vmem>> -> memref<64x64xf32, #tpu.memory_space<vmem>>
      tpu.wait_dma2 semaphore(%arg21 : memref<!tpu.dma_semaphore, #tpu.memory_space<semaphore_mem>>) src(%dma_wait3A_943 : memref<64x64xf32, #tpu.memory_space<vmem>>) dst(%dma_wait3A_939 : memref<64x64xf32, #tpu.memory_space<hbm>>)
      %lt3A_944 = arith.constant 24 : i32
      %lt3A_945 = arith.cmpi slt, %scan3A_231, %lt3A_944 : i32
      %convert_element_type3A_946 = arith.extui %lt3A_945 : i1 to i32
      %cond3A_947 = arith.constant 0 : i32
      %cond3A_948 = arith.cmpi ne, %convert_element_type3A_946, %cond3A_947 : i32
      scf.if %cond3A_948 {
        %add3A_982 = arith.constant 8 : i32
        %add3A_983 = arith.addi %mul3A_233, %add3A_982 : i32
        %add3A_984 = arith.constant 6 : i32
        %add3A_985 = arith.addi %add3A_983, %add3A_984 : i32
        %dma_start3A_986 = arith.constant 0 : i32
        %dma_start3A_987 = arith.constant 0 : i32
        %dma_start3A_988 = arith.constant 6 : i32
        %dma_start3A_989 = arith.constant 0 : i32
        %dma_start3A_990 = arith.constant 0 : i32
        %dma_start3A_991 = tpu.memref_slice %arg6[%dma_start3A_987, %dma_start3A_988, %dma_start3A_989, %dma_start3A_990] : memref<2x8x64x64xf32, #tpu.memory_space<vmem>> -> memref<1x1x64x64xf32, #tpu.memory_space<vmem>>
        %dma_start3A_992 = tpu.memref_squeeze %dma_start3A_991 : memref<1x1x64x64xf32, #tpu.memory_space<vmem>> -> memref<64x64xf32, #tpu.memory_space<vmem>>
        %dma_start3A_993 = arith.constant 0 : i32
        %dma_start3A_994 = tpu.memref_slice %arg5[%add3A_985, %dma_start3A_986, %dma_start3A_993] : memref<200x2x64xi32, #tpu.memory_space<vmem>> -> memref<1x1x64xi32, #tpu.memory_space<vmem>>
        %dma_start3A_995 = tpu.memref_squeeze %dma_start3A_994 : memref<1x1x64xi32, #tpu.memory_space<vmem>> -> memref<64xi32, #tpu.memory_space<vmem>>
        %dma_start3A_996 = arith.constant 0 : i32
        %dma_start3A_997 = arith.constant 0 : i32
        %dma_start3A_998 = tpu.memref_slice %arg3[%dma_start3A_996, %dma_start3A_997] : memref<8192x64xf32, #tpu.memory_space<hbm>> -> memref<8192x64xf32, #tpu.memory_space<hbm>>
        tpu.enqueue_indirect_dma source(%dma_start3A_998 : memref<8192x64xf32, #tpu.memory_space<hbm>>) target(%dma_start3A_992 : memref<64x64xf32, #tpu.memory_space<vmem>>) offsets(%dma_start3A_995 : memref<64xi32, #tpu.memory_space<vmem>>) semaphore(%arg13 : memref<!tpu.dma_semaphore, #tpu.memory_space<semaphore_mem>>)
        %dma_start3A_999 = arith.constant 1 : i32
        %dma_start3A_1000 = arith.constant 1 : i32
        %dma_start3A_1001 = arith.constant 6 : i32
        %dma_start3A_1002 = arith.constant 0 : i32
        %dma_start3A_1003 = arith.constant 0 : i32
        %dma_start3A_1004 = tpu.memref_slice %arg6[%dma_start3A_1000, %dma_start3A_1001, %dma_start3A_1002, %dma_start3A_1003] : memref<2x8x64x64xf32, #tpu.memory_space<vmem>> -> memref<1x1x64x64xf32, #tpu.memory_space<vmem>>
        %dma_start3A_1005 = tpu.memref_squeeze %dma_start3A_1004 : memref<1x1x64x64xf32, #tpu.memory_space<vmem>> -> memref<64x64xf32, #tpu.memory_space<vmem>>
        %dma_start3A_1006 = arith.constant 0 : i32
        %dma_start3A_1007 = tpu.memref_slice %arg5[%add3A_985, %dma_start3A_999, %dma_start3A_1006] : memref<200x2x64xi32, #tpu.memory_space<vmem>> -> memref<1x1x64xi32, #tpu.memory_space<vmem>>
        %dma_start3A_1008 = tpu.memref_squeeze %dma_start3A_1007 : memref<1x1x64xi32, #tpu.memory_space<vmem>> -> memref<64xi32, #tpu.memory_space<vmem>>
        %dma_start3A_1009 = arith.constant 0 : i32
        %dma_start3A_1010 = arith.constant 0 : i32
        %dma_start3A_1011 = tpu.memref_slice %arg3[%dma_start3A_1009, %dma_start3A_1010] : memref<8192x64xf32, #tpu.memory_space<hbm>> -> memref<8192x64xf32, #tpu.memory_space<hbm>>
        tpu.enqueue_indirect_dma source(%dma_start3A_1011 : memref<8192x64xf32, #tpu.memory_space<hbm>>) target(%dma_start3A_1005 : memref<64x64xf32, #tpu.memory_space<vmem>>) offsets(%dma_start3A_1008 : memref<64xi32, #tpu.memory_space<vmem>>) semaphore(%arg13 : memref<!tpu.dma_semaphore, #tpu.memory_space<semaphore_mem>>)
      } else {
      }
      %dma_wait3A_949 = arith.constant 0 : i32
      %dma_wait3A_950 = arith.constant 7 : i32
      %dma_wait3A_951 = arith.constant 0 : i32
      %dma_wait3A_952 = arith.constant 0 : i32
      %dma_wait3A_953 = tpu.memref_slice %arg6[%dma_wait3A_949, %dma_wait3A_950, %dma_wait3A_951, %dma_wait3A_952] : memref<2x8x64x64xf32, #tpu.memory_space<vmem>> -> memref<1x1x64x64xf32, #tpu.memory_space<vmem>>
      %dma_wait3A_954 = tpu.memref_squeeze %dma_wait3A_953 : memref<1x1x64x64xf32, #tpu.memory_space<vmem>> -> memref<64x64xf32, #tpu.memory_space<vmem>>
      %dma_wait3A_955 = arith.constant 0 : i32
      %dma_wait3A_956 = tpu.memref_slice %arg4[%mul3A_2, %dma_wait3A_955] : memref<409600x128xf32, #tpu.memory_space<hbm>> -> memref<64x64xf32, #tpu.memory_space<hbm>>
      %dma_wait3A_957 = arith.constant 0 : i32
      %dma_wait3A_958 = tpu.memref_slice %arg4[%mul3A_2, %dma_wait3A_957] : memref<409600x128xf32, #tpu.memory_space<hbm>> -> memref<64x64xf32, #tpu.memory_space<hbm>>
      %dma_wait3A_959 = arith.constant 0 : i32
      %dma_wait3A_960 = arith.constant 0 : i32
      %dma_wait3A_961 = tpu.memref_slice %arg6[%dma_wait3A_949, %dma_wait3A_950, %dma_wait3A_959, %dma_wait3A_960] : memref<2x8x64x64xf32, #tpu.memory_space<vmem>> -> memref<1x1x64x64xf32, #tpu.memory_space<vmem>>
      %dma_wait3A_962 = tpu.memref_squeeze %dma_wait3A_961 : memref<1x1x64x64xf32, #tpu.memory_space<vmem>> -> memref<64x64xf32, #tpu.memory_space<vmem>>
      tpu.wait_dma2 semaphore(%arg22 : memref<!tpu.dma_semaphore, #tpu.memory_space<semaphore_mem>>) src(%dma_wait3A_962 : memref<64x64xf32, #tpu.memory_space<vmem>>) dst(%dma_wait3A_958 : memref<64x64xf32, #tpu.memory_space<hbm>>)
      %dma_wait3A_963 = arith.constant 1 : i32
      %dma_wait3A_964 = arith.constant 7 : i32
      %dma_wait3A_965 = arith.constant 0 : i32
      %dma_wait3A_966 = arith.constant 0 : i32
      %dma_wait3A_967 = tpu.memref_slice %arg6[%dma_wait3A_963, %dma_wait3A_964, %dma_wait3A_965, %dma_wait3A_966] : memref<2x8x64x64xf32, #tpu.memory_space<vmem>> -> memref<1x1x64x64xf32, #tpu.memory_space<vmem>>
      %dma_wait3A_968 = tpu.memref_squeeze %dma_wait3A_967 : memref<1x1x64x64xf32, #tpu.memory_space<vmem>> -> memref<64x64xf32, #tpu.memory_space<vmem>>
      %dma_wait3A_969 = arith.constant 64 : i32
      %dma_wait3A_970 = tpu.memref_slice %arg4[%mul3A_2, %dma_wait3A_969] : memref<409600x128xf32, #tpu.memory_space<hbm>> -> memref<64x64xf32, #tpu.memory_space<hbm>>
      %dma_wait3A_971 = arith.constant 64 : i32
      %dma_wait3A_972 = tpu.memref_slice %arg4[%mul3A_2, %dma_wait3A_971] : memref<409600x128xf32, #tpu.memory_space<hbm>> -> memref<64x64xf32, #tpu.memory_space<hbm>>
      %dma_wait3A_973 = arith.constant 0 : i32
      %dma_wait3A_974 = arith.constant 0 : i32
      %dma_wait3A_975 = tpu.memref_slice %arg6[%dma_wait3A_963, %dma_wait3A_964, %dma_wait3A_973, %dma_wait3A_974] : memref<2x8x64x64xf32, #tpu.memory_space<vmem>> -> memref<1x1x64x64xf32, #tpu.memory_space<vmem>>
      %dma_wait3A_976 = tpu.memref_squeeze %dma_wait3A_975 : memref<1x1x64x64xf32, #tpu.memory_space<vmem>> -> memref<64x64xf32, #tpu.memory_space<vmem>>
      tpu.wait_dma2 semaphore(%arg22 : memref<!tpu.dma_semaphore, #tpu.memory_space<semaphore_mem>>) src(%dma_wait3A_976 : memref<64x64xf32, #tpu.memory_space<vmem>>) dst(%dma_wait3A_972 : memref<64x64xf32, #tpu.memory_space<hbm>>)
      %lt3A_977 = arith.constant 24 : i32
      %lt3A_978 = arith.cmpi slt, %scan3A_231, %lt3A_977 : i32
      %convert_element_type3A_979 = arith.extui %lt3A_978 : i1 to i32
      %cond3A_980 = arith.constant 0 : i32
      %cond3A_981 = arith.cmpi ne, %convert_element_type3A_979, %cond3A_980 : i32
      scf.if %cond3A_981 {
        %add3A_982 = arith.constant 8 : i32
        %add3A_983 = arith.addi %mul3A_233, %add3A_982 : i32
        %add3A_984 = arith.constant 7 : i32
        %add3A_985 = arith.addi %add3A_983, %add3A_984 : i32
        %dma_start3A_986 = arith.constant 0 : i32
        %dma_start3A_987 = arith.constant 0 : i32
        %dma_start3A_988 = arith.constant 7 : i32
        %dma_start3A_989 = arith.constant 0 : i32
        %dma_start3A_990 = arith.constant 0 : i32
        %dma_start3A_991 = tpu.memref_slice %arg6[%dma_start3A_987, %dma_start3A_988, %dma_start3A_989, %dma_start3A_990] : memref<2x8x64x64xf32, #tpu.memory_space<vmem>> -> memref<1x1x64x64xf32, #tpu.memory_space<vmem>>
        %dma_start3A_992 = tpu.memref_squeeze %dma_start3A_991 : memref<1x1x64x64xf32, #tpu.memory_space<vmem>> -> memref<64x64xf32, #tpu.memory_space<vmem>>
        %dma_start3A_993 = arith.constant 0 : i32
        %dma_start3A_994 = tpu.memref_slice %arg5[%add3A_985, %dma_start3A_986, %dma_start3A_993] : memref<200x2x64xi32, #tpu.memory_space<vmem>> -> memref<1x1x64xi32, #tpu.memory_space<vmem>>
        %dma_start3A_995 = tpu.memref_squeeze %dma_start3A_994 : memref<1x1x64xi32, #tpu.memory_space<vmem>> -> memref<64xi32, #tpu.memory_space<vmem>>
        %dma_start3A_996 = arith.constant 0 : i32
        %dma_start3A_997 = arith.constant 0 : i32
        %dma_start3A_998 = tpu.memref_slice %arg3[%dma_start3A_996, %dma_start3A_997] : memref<8192x64xf32, #tpu.memory_space<hbm>> -> memref<8192x64xf32, #tpu.memory_space<hbm>>
        tpu.enqueue_indirect_dma source(%dma_start3A_998 : memref<8192x64xf32, #tpu.memory_space<hbm>>) target(%dma_start3A_992 : memref<64x64xf32, #tpu.memory_space<vmem>>) offsets(%dma_start3A_995 : memref<64xi32, #tpu.memory_space<vmem>>) semaphore(%arg14 : memref<!tpu.dma_semaphore, #tpu.memory_space<semaphore_mem>>)
        %dma_start3A_999 = arith.constant 1 : i32
        %dma_start3A_1000 = arith.constant 1 : i32
        %dma_start3A_1001 = arith.constant 7 : i32
        %dma_start3A_1002 = arith.constant 0 : i32
        %dma_start3A_1003 = arith.constant 0 : i32
        %dma_start3A_1004 = tpu.memref_slice %arg6[%dma_start3A_1000, %dma_start3A_1001, %dma_start3A_1002, %dma_start3A_1003] : memref<2x8x64x64xf32, #tpu.memory_space<vmem>> -> memref<1x1x64x64xf32, #tpu.memory_space<vmem>>
        %dma_start3A_1005 = tpu.memref_squeeze %dma_start3A_1004 : memref<1x1x64x64xf32, #tpu.memory_space<vmem>> -> memref<64x64xf32, #tpu.memory_space<vmem>>
        %dma_start3A_1006 = arith.constant 0 : i32
        %dma_start3A_1007 = tpu.memref_slice %arg5[%add3A_985, %dma_start3A_999, %dma_start3A_1006] : memref<200x2x64xi32, #tpu.memory_space<vmem>> -> memref<1x1x64xi32, #tpu.memory_space<vmem>>
        %dma_start3A_1008 = tpu.memref_squeeze %dma_start3A_1007 : memref<1x1x64xi32, #tpu.memory_space<vmem>> -> memref<64xi32, #tpu.memory_space<vmem>>
        %dma_start3A_1009 = arith.constant 0 : i32
        %dma_start3A_1010 = arith.constant 0 : i32
        %dma_start3A_1011 = tpu.memref_slice %arg3[%dma_start3A_1009, %dma_start3A_1010] : memref<8192x64xf32, #tpu.memory_space<hbm>> -> memref<8192x64xf32, #tpu.memory_space<hbm>>
        tpu.enqueue_indirect_dma source(%dma_start3A_1011 : memref<8192x64xf32, #tpu.memory_space<hbm>>) target(%dma_start3A_1005 : memref<64x64xf32, #tpu.memory_space<vmem>>) offsets(%dma_start3A_1008 : memref<64xi32, #tpu.memory_space<vmem>>) semaphore(%arg14 : memref<!tpu.dma_semaphore, #tpu.memory_space<semaphore_mem>>)
      } else {
      }
    }
    %scan3A_230 = arith.constant 25 : i32
    return
  }
}

module attributes {stable_mosaic.version = 14 : i64} {
  func.func @_transpose_body(%arg0: i32, %arg1: memref<1x2048x128xf32, #tpu.memory_space<vmem>>, %arg2: memref<1x64x4096xf32, #tpu.memory_space<vmem>>) attributes {dimension_semantics = [#tpu.dimension_semantics<arbitrary>], iteration_bounds = array<i64: 200>, scalar_prefetch = 0 : i64, scratch_operands = 0 : i64, tpu.core_type = #tpu.core_type<tc>, window_params = [{transform_indices = @transform_0, window_bounds = array<i64: 1, 2048, 128>}, {transform_indices = @transform_1, window_bounds = array<i64: 1, 64, 4096>}]} {
    %get3A = arith.constant 0 : index
    %get3A_0 = arith.constant 0 : index
    %get3A_1 = arith.constant 0 : index
    %get3A_2 = vector.load %arg1[%get3A, %get3A_0, %get3A_1] : memref<1x2048x128xf32, #tpu.memory_space<vmem>>, vector<1x2048x128xf32>
    %get3A_3 = vector.shape_cast %get3A_2 : vector<1x2048x128xf32> to vector<2048x128xf32>
    %slice3A = vector.extract_strided_slice %get3A_3 {offsets = [0, 0], sizes = [2048, 64], strides = [1, 1]} : vector<2048x128xf32> to vector<2048x64xf32>
    %transpose3A = tpu.transpose %slice3A, [1, 0] : vector<2048x64xf32> -> vector<64x2048xf32>
    %swap3A = arith.constant 0 : index
    %swap3A_4 = arith.constant 0 : index
    %swap3A_5 = arith.constant 0 : index
    %swap3A_6 = vector.load %arg2[%swap3A, %swap3A_4, %swap3A_5] : memref<1x64x4096xf32, #tpu.memory_space<vmem>>, vector<1x64x2048xf32>
    %swap3A_7 = vector.shape_cast %swap3A_6 : vector<1x64x2048xf32> to vector<64x2048xf32>
    %swap3A_8 = vector.shape_cast %transpose3A : vector<64x2048xf32> to vector<1x64x2048xf32>
    tpu.vector_store %arg2[%swap3A, %swap3A_4, %swap3A_5], %swap3A_8 {strides = array<i32>} : memref<1x64x4096xf32, #tpu.memory_space<vmem>>, vector<1x64x2048xf32>,
    %slice3A_9 = vector.extract_strided_slice %get3A_3 {offsets = [0, 64], sizes = [2048, 64], strides = [1, 1]} : vector<2048x128xf32> to vector<2048x64xf32>
    %transpose3A_10 = tpu.transpose %slice3A_9, [1, 0] : vector<2048x64xf32> -> vector<64x2048xf32>
    %swap3A_11 = arith.constant 0 : index
    %swap3A_12 = arith.constant 0 : index
    %swap3A_13 = arith.constant 2048 : index
    %swap3A_14 = vector.load %arg2[%swap3A_11, %swap3A_12, %swap3A_13] : memref<1x64x4096xf32, #tpu.memory_space<vmem>>, vector<1x64x2048xf32>
    %swap3A_15 = vector.shape_cast %swap3A_14 : vector<1x64x2048xf32> to vector<64x2048xf32>
    %swap3A_16 = vector.shape_cast %transpose3A_10 : vector<64x2048xf32> to vector<1x64x2048xf32>
    tpu.vector_store %arg2[%swap3A_11, %swap3A_12, %swap3A_13], %swap3A_16 {strides = array<i32>} : memref<1x64x4096xf32, #tpu.memory_space<vmem>>, vector<1x64x2048xf32>,
    return
  }
  func.func @transform_0(%arg0: i32) -> (i32, i32, i32) {
    %c0_i32 = arith.constant 0 : i32
    %c0_i32_0 = arith.constant 0 : i32
    %c0_i32_1 = arith.constant 0 : i32
    return %arg0, %c0_i32, %c0_i32_0 : i32, i32, i32
  }
  func.func @transform_1(%arg0: i32) -> (i32, i32, i32) {
    %c0_i32 = arith.constant 0 : i32
    %c0_i32_0 = arith.constant 0 : i32
    %c0_i32_1 = arith.constant 0 : i32
    return %arg0, %c0_i32, %c0_i32_0 : i32, i32, i32
  }
}

</mosaic_0001>

<sc_bundles>
// kernel: kernel.4.cloned.1.call-start
scs
__scs_entry_jumppad:
0x0: {  	(pc) =	sbr.rel $0x88, $3  }
0x1: {  	(tag) =	ssettag $0x0;
	lr =	simm.s32 $0x1  }
0x2: {  	[smem:$0x3F9F] =	sst lr;
	_ =	strace $0xD0000000  }
0x3: {  	_ = 	snop  }
0x4: {  	_ = 	snop  }
0x5: {  	_ = 	snop  }
0x6: {  	_ = 	snop  }
0x7: {  	_ = 	snop  }
__scs_overlays_trampoline_lowered:
0x8: {  	[smem:$0x3FAE] =	sst s0  }
0x9: {  	[smem:$0x3FAF] =	sst s1  }
0xa: {  	[smem:$0x3FB0] =	sst s2  }
0xb: {  	[smem:$0x3FB1] =	sst s3  }
0xc: {  	[smem:$0x3FB2] =	sst s4  }
0xd: {  	[smem:$0x3FB3] =	sst s5  }
0xe: {  	[smem:$0x3FB4] =	sst s6  }
0xf: {  	[smem:$0x3FB5] =	sst s7  }
0x10: {  	[smem:$0x3FB6] =	sst s8  }
0x11: {  	[smem:$0x3FB7] =	sst s9;
	s0 =	simm.s32 @!p0 $0x0  }
0x12: {  	s1 =	sld [smem:$0x3F9D];
	s0 =	simm.s32 @p0 $0x1  }
0x13: {  	[smem:$0x3FB8] =	sst s0;
	s0 =	simm.s32 @!p1 $0x0  }
0x14: {  	s2 =	sld [smem:$0x3F9C];
	s0 =	simm.s32 @p1 $0x1  }
0x15: {  	[smem:$0x3FB9] =	sst s0;
	s0 =	simm.s32 @!p2 $0x0  }
0x16: {  	s3 =	sld [smem:$0x3FDB];
	s0 =	simm.s32 @p2 $0x1  }
0x17: {  	s4 =	simm.s32 $0x1BF5;
	[smem:$0x3FBB] =	sst s0  }
0x18: {  	s0 =	sld [smem:$0x3F9E];
	_ =	swait.ge [sflag:s4], $0x0  }
0x19: {  	s7 =	sld [smem:$0x3F9F]  }
0x1a: {  	s8 =	sadd.s32 $0xFFFFE003, lr  }
0x1b: {  	s9 =	sadd.s32 $0xFFFFFEF7, lr;
	s5 =	simm.s32 $0xFFFFFFFF;
	p2 =	slt.u32 s8, $0xFFFFF086  }
0x1c: {  	p1 =	slt.u32 s9, $0xF7A;
	s5 =	simm.s32 @!p2 $0x0  }
0x1d: {  	s5 =	simm.s32 @p1 $0x1;
	p0 =	seq.s32 s7, s2  }
0x1e: {  	s7 =	smul.u32 @!p0 $0xF7A, s2;
	p2 =	seq.s32 @!p0 s5, $0x0  }
0x1f: {  	s9 =	smul.u32 $0xF7A, s1;
	s8 =	simm.s32 @!p0 $0x1BF5;
	p2 =	por !p2, p0  }
0x20: {  	[sflag:s8] =	ssyncset.s32 @!p0 $0xFFFFF086;
	s6 =	sadd.s32 @!p0 s3, s7;
	s7 =	simm.s32 @!p0 $0x108  }
0x21: {  	s3 =	sadd.s32 s3, s9;
	s6 =	sadd.s32 @!p0 $0x88, s6;
	s7 =	simm.s32 @p2 $0x1082  }
0x22: {  	[simem:s7], [sflag:s8] =	dma.local @!p0 [hbm:s6], $0xF7A  }
0x23: {  	s9 =	sor.u32 $0xD0000000, s2;
	s6 =	simm.s32 $0x108;
	_ =	swait.ge @!p0 [sflag:s8], $0x0  }
0x24: {  	s3 =	sadd.s32 $0x88, s3;
	s6 =	simm.s32 @!p1 $0x1082;
	[sflag:s4] =	ssyncset.s32 $0xFFFFF086  }
0x25: {  	[simem:s6], [sflag:s4] =	dma.local [hbm:s3], $0xF7A  }
0x26: {  	[smem:$0x3F9F] =	sst s1;
	(tag) =	ssettag s2;
	_ =	strace s9  }
0x27: {  	s1 =	sld [smem:$0x3FAF]  }
0x28: {  	s2 =	sld [smem:$0x3FB0]  }
0x29: {  	s4 =	sld [smem:$0x3FB2]  }
0x2a: {  	p0 =	seq.s32 s5, $0x0;
	s5 =	sld [smem:$0x3FB3]  }
0x2b: {  	s6 =	sld [smem:$0x3FB4]  }
0x2c: {  	s7 =	sld [smem:$0x3FB5]  }
0x2d: {  	s3 =	simm.s32 $0x108;
	s8 =	sld [smem:$0x3FB6]  }
0x2e: {  	s3 =	simm.s32 @!p0 $0x1082;
	s9 =	sld [smem:$0x3FB7]  }
0x2f: {  	lr =	sadd.s32 s0, s3;
	s0 =	sld [smem:$0x3FAE]  }
0x30: {  	s3 =	sld [smem:$0x3FB1]  }
0x31: {  	[smem:$0x3FBA] =	sst s10  }
0x32: {  	s10 =	sld [smem:$0x3FB8];
	_ =	sdelay $0x3  }
0x33: {  	p0 =	seq.s32 s10, $0x1;
	s10 =	sld [smem:$0x3FBA];
	_ =	sdelay $0x3  }
0x34: {  	[smem:$0x3FBA] =	sst s10  }
0x35: {  	s10 =	sld [smem:$0x3FB9];
	_ =	sdelay $0x3  }
0x36: {  	p1 =	seq.s32 s10, $0x1;
	s10 =	sld [smem:$0x3FBA];
	_ =	sdelay $0x3  }
0x37: {  	[smem:$0x3FBA] =	sst s10  }
0x38: {  	s10 =	sld [smem:$0x3FBB]  }
0x39: {  	_ = 	snop;
	(pc) =	sbr.ind lr, $3  }
0x3a: {  	_ = 	snop  }
0x3b: {  	_ = 	snop  }
0x3c: {  	p2 =	seq.s32 s10, $0x1;
	s10 =	sld [smem:$0x3FBA]  }
0x3d: {  	_ =	shalt  }
0x3e: {  	_ =	shalt  }
0x3f: {  	_ =	shalt  }
0x40: {  	_ =	shalt  }
0x41: {  	_ =	shalt  }
0x42: {  	_ =	shalt  }
0x43: {  	_ =	shalt  }
0x44: {  	_ =	shalt  }
0x45: {  	_ =	shalt  }
0x46: {  	_ =	shalt  }
0x47: {  	_ =	shalt  }
0x48: {  	_ =	shalt  }
0x49: {  	_ =	shalt  }
0x4a: {  	_ =	shalt  }
0x4b: {  	_ =	shalt  }
0x4c: {  	_ =	shalt  }
0x4d: {  	_ =	shalt  }
0x4e: {  	_ =	shalt  }
0x4f: {  	_ =	shalt  }
0x50: {  	_ =	shalt  }
0x51: {  	_ =	shalt  }
0x52: {  	_ =	shalt  }
0x53: {  	_ =	shalt  }
0x54: {  	_ =	shalt  }
0x55: {  	_ =	shalt  }
0x56: {  	_ =	shalt  }
0x57: {  	_ =	shalt  }
0x58: {  	_ =	shalt  }
0x59: {  	_ =	shalt  }
0x5a: {  	_ =	shalt  }
0x5b: {  	_ =	shalt  }
0x5c: {  	_ =	shalt  }
0x5d: {  	_ =	shalt  }
0x5e: {  	_ =	shalt  }
0x5f: {  	_ =	shalt  }
0x60: {  	_ =	shalt  }
0x61: {  	_ =	shalt  }
0x62: {  	_ =	shalt  }
0x63: {  	_ =	shalt  }
0x64: {  	_ =	shalt  }
0x65: {  	_ =	shalt  }
0x66: {  	_ =	shalt  }
0x67: {  	_ =	shalt  }
0x68: {  	_ =	shalt  }
0x69: {  	_ =	shalt  }
0x6a: {  	_ =	shalt  }
0x6b: {  	_ =	shalt  }
0x6c: {  	_ =	shalt  }
0x6d: {  	_ =	shalt  }
0x6e: {  	_ =	shalt  }
0x6f: {  	_ =	shalt  }
0x70: {  	_ =	shalt  }
0x71: {  	_ =	shalt  }
0x72: {  	_ =	shalt  }
0x73: {  	_ =	shalt  }
0x74: {  	_ =	shalt  }
0x75: {  	_ =	shalt  }
0x76: {  	_ =	shalt  }
0x77: {  	_ =	shalt  }
0x78: {  	_ =	shalt  }
0x79: {  	_ =	shalt  }
0x7a: {  	_ =	shalt  }
0x7b: {  	_ =	shalt  }
0x7c: {  	_ =	shalt  }
0x7d: {  	_ =	shalt  }
0x7e: {  	_ =	shalt  }
0x7f: {  	_ =	shalt  }
0x80: {  	_ =	shalt  }
0x81: {  	_ =	shalt  }
0x82: {  	_ =	shalt  }
0x83: {  	_ =	shalt  }
0x84: {  	_ =	shalt  }
0x85: {  	_ =	shalt  }
0x86: {  	_ =	shalt  }
0x87: {  	_ =	shalt  }
.Lfunc_end0:
.L_simem_size_0:
called_computation_lowered:
.L_overlay_start_0:
0x88: {  	s2 =	sld [smem:$0x3FD9]  }
0x89: {  	s3 =	sld [smem:$0x3FFE];
	_ =	sdelay $0x1  }
0x8a: {  	s1 =	srdreg.scid  }
0x8b: {  	s0 =	sand.u32 $0x1, s1  }
0x8c: {  	s17 =	sshll.u32 s0, $0xA;
	s2 =	sadd.s32 s3, s2  }
0x8d: {  	s2 =	sadd.s32 s2, s17  }
0x8e: {  	[smem:$0x3FC6] =	sst s2  }
0x8f: {  	_ = 	snop  }
0x90: {  	s2 =	sld [smem:$0x3FD0];
	(tm) =	ssettm $0x1  }
0x91: {  	s18 =	sld [smem:$0x3FFB];
	_ =	sdelay $0x3  }
0x92: {  	_ =	strace s18  }
0x93: {  	s3 =	sld [smem:$0x3FFC];
	_ =	sdelay $0x3  }
0x94: {  	_ =	strace s3  }
0x95: {  	s3 =	sld [smem:$0x3FFD];
	_ =	sdelay $0x3  }
0x96: {  	_ =	strace s3  }
0x97: {  	_ =	strace $0x8FFFFFFF  }
0x98: {  	s19 =	sld [smem:$0x3FDB];
	_ =	sdelay $0x1  }
0x99: {  	s4 =	simm.s32 $_scs_section_size  }
0x9a: {  	s5 =	simm.s32 $_size__tile_overlayer_lowered;
	s6 =	simm.s32 $_tile_overlayer_lowered  }
0x9b: {  	s22 =	simm.s32 $0x1BFF;
	s21 =	sshll.u32 s6, $0x1;
	s3 =	sadd.s32 s4, s19  }
0x9c: {  	s7 =	simm.s32 $0x0;
	s20 =	sshll.u32 s5, $0x1;
	s5 =	sadd.s32 s21, s3  }
0x9d: {  	[timem:s7], [sflag:s22] =	dma.local [hbm:s5], s20  }
0x9e: {  	_ =	swait.ge [sflag:s22], s20  }
0x9f: {  	s4 =	ssub.s32 $0x0, s20;
	[sflag:s22] =	ssyncset.done $0x0  }
0xa0: {  	[sflag:s22] =	ssyncadd.s32 s4;
	_ =	sdelay $0x1  }
0xa1: {  	s23 =	simm.s32 $0x1B8B  }
0xa2: {  	_ =	swait.ge [sflag:s23], $0x1  }
0xa3: {  	[sflag:s23] =	ssyncset.done $0x0  }
0xa4: {  	s25 =	simm.s32 $0x1B8E;
	s24 =	sld [smem:$0x3FFE];
	[sflag:s23] =	ssyncadd.s32 $0xFFFFFFFF  }
0xa5: {  	s26 =	simm.s32 $execute0_lowered;
	[smem:$0x3FD2] =	sst s25  }
0xa6: {  	s5 =	sshll.u32 s26, $0x1;
	_ =	strace $0x80000046;
	[dreg:$0x1] =	wrdreg $0xFFFFFFFF  }
0xa7: {  	s28 =	simm.s32 $_size_execute0_lowered;
	s3 =	sadd.s32 s3, s5;
	[dreg:$0x0] =	wrdreg $0x0  }
0xa8: {  	s5 =	sshll.u32 s28, $0x1;
	[dreg:$0x2] =	wrdreg s3  }
0xa9: {  	[dreg:$0x3] =	wrdreg s5  }
0xaa: {  	[dreg:$0x4] =	wrdreg $0xC0  }
0xab: {  	_ =	task [dreg:s7], $0x5FFFF  }
0xac: {  	[dreg:$0x1] =	wrdreg $0xFFFFFFFF  }
0xad: {  	[dreg:$0x0] =	wrdreg $0x60  }
0xae: {  	[dreg:$0x2] =	wrdreg s2  }
0xaf: {  	[dreg:$0x3] =	wrdreg s24  }
0xb0: {  	[dreg:$0x4] =	wrdreg $0x9  }
0xb1: {  	_ =	task.clear_ibuf [dreg:s7], $0x5FFFF;
	_ =	strace $0x90000046  }
0xb2: {  	s29 =	simm.s32 $0x9;
	_ =	strace $0x80000048  }
0xb3: {  	_ =	swait.ge [sflag:s29], $0x1  }
0xb4: {  	[sflag:s29] =	ssyncadd.s32 $0xFFFFFFFF  }
0xb5: {  	_ =	strace $0x90000048  }
0xb6: {  	_ =	sfence  }
0xb7: {  	s30 =	sld [smem:$0x0];
	_ =	sdelay $0x2  }
0xb8: {  	s31 =	sshll.u32 s1, $0xD;
	s1 =	sshrl.u32 s1, $0x2  }
0xb9: {  	s3 =	sand.u32 $0x4000, s31;
	s1 =	sadd.s32 s1, s30  }
0xba: {  	s0 =	sor.u32 s3, s0;
	s1 =	sshll.u32 s1, $0x11  }
0xbb: {  	s0 =	sor.u32 s1, s0  }
0xbc: {  	s0 =	sadd.s32 $0x8F2B, s0  }
0xbd: {  	[sflag:s0] =	ssyncadd.remote.s32 $0x1  }
0xbe: {  	_ =	sfence.sel $0xFFFF  }
0xbf: {  	[dreg:$0x0] =	wrdreg $0xFFFFFFFF;
	(pc) =	sbr.abs _section_cstart, $3  }
0xc0: {  	[dreg:$0x1] =	wrdreg $0xFFFFFFFF  }
0xc1: {  	_ =	task.clear_ibuf [dreg:s7], $0x2FFFF;
	_ =	strace $0x9FFFFFFF  }
0xc2: {  	(tm) =	ssettm $0x7FFFFFFF  }
0xc3: {  	_ =	shalt  }
tec
execute0_lowered:
.L_overlay_start_1:
0x0: {  	(tag) =	ssettag $0x1  }
0x1: {  	s0 =	rddreg [dreg:$0x0]  }
0x2: {  	s1 =	srdreg.scid;
	s9 =	stileid.u32  }
0x3: {  	s2 =	rddreg [dreg:$0x1];
	s4 =	simm.s32 $0x0;
	s12 =	simm.s32 $0x80  }
0x4: {  	s28 =	simm.s32 $0x12400;
	s30 =	simm.s32 $0xB400;
	s14 =	simm.s32 $0xC400  }
0x5: {  	s18 =	simm.s32 $0x14400;
	s29 =	simm.s32 $0x1;
	s31 =	simm.s32 $0x2  }
0x6: {  	s16 =	simm.s32 $0x4;
	s20 =	simm.s32 $0x5;
	s10 =	simm.s32 $0xD  }
0x7: {  	s11 =	simm.s32 $0xF;
	s13 =	simm.s32 $0x10;
	s17 =	simm.s32 $0x0  }
0x8: {  	s1 =	sand.u32 $0x1, s1;
	s3 =	sshll.u32 s9, $0x1;
	s6 =	smul.u32 $0x320000, s9  }
0x9: {  	[smem:$0x7FF] =	sst s4;
	s23 =	smul.u32 $0x64000, s9;
	s9 =	simm.s32 $0x40  }
0xa: {  	s4 =	simm.s32 $0x8;
	s3 =	sor.u32 s1, s3;
	s8 =	smul.u32 $0x190000, s1  }
0xb: {  	_ =	strace $0x80000047;
	s5 =	ssub.s32 $0x2, s1;
	s1 =	smul.u32 $0x32000, s1  }
0xc: {  	s22 =	smul.u32 $0xC80, s3;
	s3 =	sadd.s32 $0x600, s2;
	s7 =	sshrl.u32 s5, $0x1  }
0xd: {  	s2 =	sadd.s32 $0x10600, s2;
	s5 =	ssub.s32 s5, s7;
	s24 =	sadd.s32 s8, s6  }
0xe: {  	s26 =	sadd.s32 s23, s2;
	s8 =	simm.s32 $0xB;
	s0 =	sadd.s32 s0, s22  }
.Ltmp0:
0xf: {  	s25 =	smax.u32 s5, $0x1;
	s7 =	sadd.s32 s1, s26;
	(pc) =	sbr.rel .LBB2_1-.Ltmp0, $4  }
0x10: {  	s1 =	simm.s32 $0x13400;
	s22 =	simm.s32 $0xD400;
	[dreg:$0x3] =	wrdreg s0  }
0x11: {  	s26 =	simm.s32 $0x15400;
	s5 =	simm.s32 $0x9;
	[dreg:$0x4] =	wrdreg s25  }
0x12: {  	s0 =	sshrl.u32 s24, $0x3;
	s25 =	simm.s32 $0xA400;
	s24 =	simm.s32 $0x6  }
0x13: {  	s6 =	sadd.s32 s0, s2;
	s0 =	simm.s32 $0x3;
	s2 =	simm.s32 $0x7  }
.LBB2_4:
0x14: {  	_ =	swait.ge [sflag:s13], $0x1000  }
0x15: {  	[sflag:s13] =	ssyncset.done $0x0  }
0x16: {  	[sflag:s13] =	ssyncadd.s32 $0xFFFFF000  }
0x17: {  	_ =	swait.ge [sflag:s13], $0x1000  }
0x18: {  	s17 =	rddreg [dreg:$0x5]  }
0x19: {  	s15 =	rddreg [dreg:$0x4];
	s17 =	sadd.s32 $0x1, s17  }
0x1a: {  	p0 =	sne.s32 s17, s15  }
.Ltmp1:
0x1b: {  	_ = 	snop;
	(pc) =	sbr.rel @!p0 .LBB2_5-.Ltmp1, $3  }
0x1c: {  	_ =	sdelay $0x1  }
0x1d: {  	[sflag:s13] =	ssyncset.done $0x0  }
0x1e: {  	[sflag:s13] =	ssyncadd.s32 $0xFFFFF000  }
.LBB2_1:
0x1f: {  	[dreg:$0x5] =	wrdreg s17  }
0x20: {  	s15 =	simm.s32 $0x0;
	s19 =	rddreg [dreg:$0x3];
	s21 =	simm.s32 $0x11  }
0x21: {  	[tilespmem:s15], [sflag:$0x11] =	stream.linear.gather [hbm4b:s19+s15], $0x6400, $0x38;
	[tilespmem:$0x16400] =	vst v63  }
0x22: {  	_ =	swait.ge [sflag:s21], $0x6400  }
0x23: {  	[sflag:s21] =	ssyncset.done $0x0  }
0x24: {  	s23 =	simm.s32 $0x6400;
	[sflag:s21] =	ssyncadd.s32 $0xFFFF9C00  }
0x25: {  	[tilespmem:s23], [sflag:$0x1] =	stream.indirect.gather [hbm4b:s3+s9], $0x40, s15, s9, $0xb8;
	[tilespmem:$0x16400] =	vst v63  }
0x26: {  	s17 =	simm.s32 $0xE400  }
0x27: {  	[tilespmem:s17], [sflag:$0x1] =	stream.indirect.gather [hbm4b:s3+s9], $0x40, s9, s9, $0xb8;
	[tilespmem:$0x16400] =	vst v63  }
0x28: {  	s19 =	simm.s32 $0x7400  }
0x29: {  	[tilespmem:s19], [sflag:$0x2] =	stream.indirect.gather [hbm4b:s3+s9], $0x40, s12, s9, $0xb8;
	[tilespmem:$0x16400] =	vst v63  }
0x2a: {  	s21 =	simm.s32 $0xC0;
	s23 =	simm.s32 $0xF400  }
0x2b: {  	[tilespmem:s23], [sflag:$0x2] =	stream.indirect.gather [hbm4b:s3+s9], $0x40, s21, s9, $0xb8;
	[tilespmem:$0x16400] =	vst v63  }
0x2c: {  	s17 =	simm.s32 $0x100;
	s19 =	simm.s32 $0x8400  }
0x2d: {  	[tilespmem:s19], [sflag:$0x3] =	stream.indirect.gather [hbm4b:s3+s9], $0x40, s17, s9, $0xb8;
	[tilespmem:$0x16400] =	vst v63  }
0x2e: {  	s21 =	simm.s32 $0x140;
	s23 =	simm.s32 $0x10400  }
0x2f: {  	[tilespmem:s23], [sflag:$0x3] =	stream.indirect.gather [hbm4b:s3+s9], $0x40, s21, s9, $0xb8;
	[tilespmem:$0x16400] =	vst v63  }
0x30: {  	s17 =	simm.s32 $0x180;
	s19 =	simm.s32 $0x9400  }
0x31: {  	[tilespmem:s19], [sflag:$0x4] =	stream.indirect.gather [hbm4b:s3+s9], $0x40, s17, s9, $0xb8;
	[tilespmem:$0x16400] =	vst v63  }
0x32: {  	s21 =	simm.s32 $0x1C0;
	s23 =	simm.s32 $0x11400  }
0x33: {  	[tilespmem:s23], [sflag:$0x4] =	stream.indirect.gather [hbm4b:s3+s9], $0x40, s21, s9, $0xb8;
	[tilespmem:$0x16400] =	vst v63  }
0x34: {  	s17 =	simm.s32 $0x200  }
0x35: {  	[tilespmem:s25], [sflag:$0x5] =	stream.indirect.gather [hbm4b:s3+s9], $0x40, s17, s9, $0xb8;
	[tilespmem:$0x16400] =	vst v63  }
0x36: {  	s19 =	simm.s32 $0x240  }
0x37: {  	[tilespmem:s28], [sflag:$0x5] =	stream.indirect.gather [hbm4b:s3+s9], $0x40, s19, s9, $0xb8;
	[tilespmem:$0x16400] =	vst v63  }
0x38: {  	s21 =	simm.s32 $0x280  }
0x39: {  	[tilespmem:s30], [sflag:$0x6] =	stream.indirect.gather [hbm4b:s3+s9], $0x40, s21, s9, $0xb8;
	[tilespmem:$0x16400] =	vst v63  }
0x3a: {  	s23 =	simm.s32 $0x2C0  }
0x3b: {  	[tilespmem:s1], [sflag:$0x6] =	stream.indirect.gather [hbm4b:s3+s9], $0x40, s23, s9, $0xb8;
	[tilespmem:$0x16400] =	vst v63  }
0x3c: {  	s17 =	simm.s32 $0x300  }
0x3d: {  	[tilespmem:s14], [sflag:$0x7] =	stream.indirect.gather [hbm4b:s3+s9], $0x40, s17, s9, $0xb8;
	[tilespmem:$0x16400] =	vst v63  }
0x3e: {  	s19 =	simm.s32 $0x340  }
0x3f: {  	[tilespmem:s18], [sflag:$0x7] =	stream.indirect.gather [hbm4b:s3+s9], $0x40, s19, s9, $0xb8;
	[tilespmem:$0x16400] =	vst v63  }
0x40: {  	s21 =	simm.s32 $0x380  }
0x41: {  	[tilespmem:s22], [sflag:$0x8] =	stream.indirect.gather [hbm4b:s3+s9], $0x40, s21, s9, $0xb8;
	[tilespmem:$0x16400] =	vst v63  }
0x42: {  	s15 =	simm.s32 $0x400;
	s23 =	simm.s32 $0x3C0;
	s17 =	simm.s32 $0x0  }
0x43: {  	[tilespmem:s26], [sflag:$0x8] =	stream.indirect.gather [hbm4b:s3+s9], $0x40, s23, s9, $0xb8;
	[tilespmem:$0x16400] =	vst v63  }
.LBB2_2:
0x44: {  	_ =	swait.ge [sflag:s29], $0x1000  }
0x45: {  	[sflag:s29] =	ssyncset.done $0x0  }
0x46: {  	[sflag:s29] =	ssyncadd.s32 $0xFFFFF000  }
0x47: {  	_ =	swait.ge [sflag:s29], $0x1000  }
0x48: {  	[sflag:s29] =	ssyncset.done $0x0  }
0x49: {  	s19 =	sadd.s32 s17, s6;
	s21 =	simm.s32 $0x6400;
	[sflag:s29] =	ssyncadd.s32 $0xFFFFF000  }
0x4a: {  	[hbm4b:s19+s9] =	stream.strided.scatter [tilespmem:s21], [sflag:$0x9], $0x1000, s12, s9, $0x38;
	[tilespmem:$0x16400] =	vst v63  }
0x4b: {  	s23 =	simm.s32 $0xE400;
	s19 =	sadd.s32 $0x8, s19  }
0x4c: {  	[hbm4b:s19+s9] =	stream.strided.scatter [tilespmem:s23], [sflag:$0x9], $0x1000, s12, s9, $0x38;
	[tilespmem:$0x16400] =	vst v63  }
0x4d: {  	_ =	swait.ge [sflag:s31], $0x1000  }
0x4e: {  	[sflag:s31] =	ssyncset.done $0x0  }
0x4f: {  	[sflag:s31] =	ssyncadd.s32 $0xFFFFF000  }
0x50: {  	_ =	swait.ge [sflag:s31], $0x1000  }
0x51: {  	s19 =	sadd.s32 s17, s7;
	[sflag:s31] =	ssyncset.done $0x0  }
0x52: {  	s23 =	simm.s32 $0x7400;
	s21 =	sadd.s32 $0x400, s19;
	[sflag:s31] =	ssyncadd.s32 $0xFFFFF000  }
0x53: {  	[hbm4b:s21+s9] =	stream.strided.scatter [tilespmem:s23], [sflag:$0xA], $0x1000, s12, s9, $0x38;
	[tilespmem:$0x16400] =	vst v63  }
0x54: {  	s21 =	sadd.s32 $0x408, s19;
	s23 =	simm.s32 $0xF400  }
0x55: {  	[hbm4b:s21+s9] =	stream.strided.scatter [tilespmem:s23], [sflag:$0xA], $0x1000, s12, s9, $0x38;
	[tilespmem:$0x16400] =	vst v63  }
0x56: {  	_ =	swait.ge [sflag:s0], $0x1000  }
0x57: {  	[sflag:s0] =	ssyncset.done $0x0  }
0x58: {  	[sflag:s0] =	ssyncadd.s32 $0xFFFFF000  }
0x59: {  	_ =	swait.ge [sflag:s0], $0x1000  }
0x5a: {  	[sflag:s0] =	ssyncset.done $0x0  }
0x5b: {  	s21 =	sadd.s32 $0x800, s19;
	s23 =	simm.s32 $0x8400;
	[sflag:s0] =	ssyncadd.s32 $0xFFFFF000  }
0x5c: {  	[hbm4b:s21+s9] =	stream.strided.scatter [tilespmem:s23], [sflag:$0xB], $0x1000, s12, s9, $0x38;
	[tilespmem:$0x16400] =	vst v63  }
0x5d: {  	s21 =	sadd.s32 $0x808, s19;
	s23 =	simm.s32 $0x10400  }
0x5e: {  	[hbm4b:s21+s9] =	stream.strided.scatter [tilespmem:s23], [sflag:$0xB], $0x1000, s12, s9, $0x38;
	[tilespmem:$0x16400] =	vst v63  }
0x5f: {  	_ =	swait.ge [sflag:s16], $0x1000  }
0x60: {  	[sflag:s16] =	ssyncset.done $0x0  }
0x61: {  	[sflag:s16] =	ssyncadd.s32 $0xFFFFF000  }
0x62: {  	_ =	swait.ge [sflag:s16], $0x1000  }
0x63: {  	[sflag:s16] =	ssyncset.done $0x0  }
0x64: {  	s21 =	sadd.s32 $0xC00, s19;
	s23 =	simm.s32 $0x9400;
	[sflag:s16] =	ssyncadd.s32 $0xFFFFF000  }
0x65: {  	[hbm4b:s21+s9] =	stream.strided.scatter [tilespmem:s23], [sflag:$0xC], $0x1000, s12, s9, $0x38;
	[tilespmem:$0x16400] =	vst v63  }
0x66: {  	s21 =	sadd.s32 $0xC08, s19;
	s23 =	simm.s32 $0x11400  }
0x67: {  	[hbm4b:s21+s9] =	stream.strided.scatter [tilespmem:s23], [sflag:$0xC], $0x1000, s12, s9, $0x38;
	[tilespmem:$0x16400] =	vst v63  }
0x68: {  	_ =	swait.ge [sflag:s20], $0x1000  }
0x69: {  	[sflag:s20] =	ssyncset.done $0x0  }
0x6a: {  	[sflag:s20] =	ssyncadd.s32 $0xFFFFF000  }
0x6b: {  	_ =	swait.ge [sflag:s20], $0x1000  }
0x6c: {  	[sflag:s20] =	ssyncset.done $0x0  }
0x6d: {  	s23 =	sadd.s32 $0x1000, s19;
	[sflag:s20] =	ssyncadd.s32 $0xFFFFF000  }
0x6e: {  	[hbm4b:s23+s9] =	stream.strided.scatter [tilespmem:s25], [sflag:$0xD], $0x1000, s12, s9, $0x38;
	[tilespmem:$0x16400] =	vst v63  }
0x6f: {  	s23 =	sadd.s32 $0x1008, s19  }
0x70: {  	[hbm4b:s23+s9] =	stream.strided.scatter [tilespmem:s28], [sflag:$0xD], $0x1000, s12, s9, $0x38;
	[tilespmem:$0x16400] =	vst v63  }
0x71: {  	_ =	swait.ge [sflag:s24], $0x1000  }
0x72: {  	[sflag:s24] =	ssyncset.done $0x0  }
0x73: {  	[sflag:s24] =	ssyncadd.s32 $0xFFFFF000  }
0x74: {  	_ =	swait.ge [sflag:s24], $0x1000  }
0x75: {  	[sflag:s24] =	ssyncset.done $0x0  }
0x76: {  	s23 =	sadd.s32 $0x1400, s19;
	[sflag:s24] =	ssyncadd.s32 $0xFFFFF000  }
0x77: {  	[hbm4b:s23+s9] =	stream.strided.scatter [tilespmem:s30], [sflag:$0xE], $0x1000, s12, s9, $0x38;
	[tilespmem:$0x16400] =	vst v63  }
0x78: {  	s23 =	sadd.s32 $0x1408, s19  }
0x79: {  	[hbm4b:s23+s9] =	stream.strided.scatter [tilespmem:s1], [sflag:$0xE], $0x1000, s12, s9, $0x38;
	[tilespmem:$0x16400] =	vst v63  }
0x7a: {  	_ =	swait.ge [sflag:s2], $0x1000  }
0x7b: {  	[sflag:s2] =	ssyncset.done $0x0  }
0x7c: {  	[sflag:s2] =	ssyncadd.s32 $0xFFFFF000  }
0x7d: {  	_ =	swait.ge [sflag:s2], $0x1000  }
0x7e: {  	[sflag:s2] =	ssyncset.done $0x0  }
0x7f: {  	s23 =	sadd.s32 $0x1800, s19;
	[sflag:s2] =	ssyncadd.s32 $0xFFFFF000  }
0x80: {  	[hbm4b:s23+s9] =	stream.strided.scatter [tilespmem:s14], [sflag:$0xF], $0x1000, s12, s9, $0x38;
	[tilespmem:$0x16400] =	vst v63  }
0x81: {  	s23 =	sadd.s32 $0x1808, s19  }
0x82: {  	[hbm4b:s23+s9] =	stream.strided.scatter [tilespmem:s18], [sflag:$0xF], $0x1000, s12, s9, $0x38;
	[tilespmem:$0x16400] =	vst v63  }
0x83: {  	_ =	swait.ge [sflag:s4], $0x1000  }
0x84: {  	[sflag:s4] =	ssyncset.done $0x0  }
0x85: {  	[sflag:s4] =	ssyncadd.s32 $0xFFFFF000  }
0x86: {  	_ =	swait.ge [sflag:s4], $0x1000  }
0x87: {  	[sflag:s4] =	ssyncset.done $0x0  }
0x88: {  	s23 =	sadd.s32 $0x1C00, s19;
	[sflag:s4] =	ssyncadd.s32 $0xFFFFF000  }
0x89: {  	[hbm4b:s23+s9] =	stream.strided.scatter [tilespmem:s22], [sflag:$0x10], $0x1000, s12, s9, $0x38;
	[tilespmem:$0x16400] =	vst v63  }
0x8a: {  	s19 =	sadd.s32 $0x1C08, s19  }
0x8b: {  	[hbm4b:s19+s9] =	stream.strided.scatter [tilespmem:s26], [sflag:$0x10], $0x1000, s12, s9, $0x38;
	[tilespmem:$0x16400] =	vst v63  }
0x8c: {  	_ =	swait.ge [sflag:s5], $0x1000  }
0x8d: {  	[sflag:s5] =	ssyncset.done $0x0  }
0x8e: {  	[sflag:s5] =	ssyncadd.s32 $0xFFFFF000  }
0x8f: {  	_ =	swait.ge [sflag:s5], $0x1000  }
0x90: {  	p0 =	seq.s32 s17, $0x30000;
	[sflag:s5] =	ssyncset.done $0x0  }
0x91: {  	s19 =	simm.s32 @p0 $0xA;
	[sflag:s5] =	ssyncadd.s32 $0xFFFFF000  }
0x92: {  	_ =	swait.ge @p0 [sflag:s19], $0x1000  }
0x93: {  	[sflag:s19] =	ssyncset.done @p0 $0x0  }
0x94: {  	[sflag:s19] =	ssyncadd.s32 @p0 $0xFFFFF000  }
0x95: {  	_ =	swait.ge @p0 [sflag:s19], $0x1000  }
0x96: {  	[sflag:s19] =	ssyncset.done @p0 $0x0  }
0x97: {  	s21 =	simm.s32 @!p0 $0x6400;
	[sflag:s19] =	ssyncadd.s32 @p0 $0xFFFFF000;
	s19 =	simm.s32 @!p0 $0x40  }
0x98: {  	[tilespmem:s21], [sflag:$0x1] =	stream.indirect.gather @!p0 [hbm4b:s3+s19], $0x40, s15, s19, $0xb8;
	[tilespmem:$0x16400] =	vst v63  }
0x99: {  	s23 =	simm.s32 @!p0 $0xE400;
	s21 =	sadd.s32 @!p0 $0x40, s15  }
0x9a: {  	[tilespmem:s23], [sflag:$0x1] =	stream.indirect.gather @!p0 [hbm4b:s3+s19], $0x40, s21, s19, $0xb8;
	[tilespmem:$0x16400] =	vst v63  }
0x9b: {  	s21 =	simm.s32 @!p0 $0xA  }
0x9c: {  	_ =	swait.ge @!p0 [sflag:s21], $0x1000  }
0x9d: {  	[sflag:s21] =	ssyncset.done @!p0 $0x0  }
0x9e: {  	[sflag:s21] =	ssyncadd.s32 @!p0 $0xFFFFF000  }
0x9f: {  	_ =	swait.ge @!p0 [sflag:s21], $0x1000  }
0xa0: {  	[sflag:s21] =	ssyncset.done @!p0 $0x0  }
0xa1: {  	s23 =	simm.s32 @!p0 $0x7400;
	[sflag:s21] =	ssyncadd.s32 @!p0 $0xFFFFF000;
	s21 =	sadd.s32 @!p0 $0x80, s15  }
0xa2: {  	[tilespmem:s23], [sflag:$0x2] =	stream.indirect.gather @!p0 [hbm4b:s3+s19], $0x40, s21, s19, $0xb8;
	[tilespmem:$0x16400] =	vst v63  }
0xa3: {  	s21 =	sadd.s32 @!p0 $0xC0, s15;
	s23 =	simm.s32 @!p0 $0xF400  }
0xa4: {  	[tilespmem:s23], [sflag:$0x2] =	stream.indirect.gather @!p0 [hbm4b:s3+s19], $0x40, s21, s19, $0xb8;
	[tilespmem:$0x16400] =	vst v63  }
0xa5: {  	_ =	swait.ge [sflag:s8], $0x1000  }
0xa6: {  	[sflag:s8] =	ssyncset.done $0x0  }
0xa7: {  	[sflag:s8] =	ssyncadd.s32 $0xFFFFF000  }
0xa8: {  	_ =	swait.ge [sflag:s8], $0x1000  }
0xa9: {  	[sflag:s8] =	ssyncset.done $0x0  }
0xaa: {  	s21 =	simm.s32 @p0 $0xC;
	[sflag:s8] =	ssyncadd.s32 $0xFFFFF000  }
0xab: {  	_ =	swait.ge @p0 [sflag:s21], $0x1000  }
0xac: {  	[sflag:s21] =	ssyncset.done @p0 $0x0  }
0xad: {  	[sflag:s21] =	ssyncadd.s32 @p0 $0xFFFFF000  }
0xae: {  	_ =	swait.ge @p0 [sflag:s21], $0x1000  }
0xaf: {  	[sflag:s21] =	ssyncset.done @p0 $0x0  }
0xb0: {  	s23 =	simm.s32 @!p0 $0x8400;
	[sflag:s21] =	ssyncadd.s32 @p0 $0xFFFFF000;
	s21 =	sadd.s32 @!p0 $0x100, s15  }
0xb1: {  	[tilespmem:s23], [sflag:$0x3] =	stream.indirect.gather @!p0 [hbm4b:s3+s19], $0x40, s21, s19, $0xb8;
	[tilespmem:$0x16400] =	vst v63  }
0xb2: {  	s21 =	sadd.s32 @!p0 $0x140, s15;
	s23 =	simm.s32 @!p0 $0x10400  }
0xb3: {  	[tilespmem:s23], [sflag:$0x3] =	stream.indirect.gather @!p0 [hbm4b:s3+s19], $0x40, s21, s19, $0xb8;
	[tilespmem:$0x16400] =	vst v63  }
0xb4: {  	s21 =	simm.s32 @!p0 $0xC  }
0xb5: {  	_ =	swait.ge @!p0 [sflag:s21], $0x1000  }
0xb6: {  	[sflag:s21] =	ssyncset.done @!p0 $0x0  }
0xb7: {  	[sflag:s21] =	ssyncadd.s32 @!p0 $0xFFFFF000  }
0xb8: {  	_ =	swait.ge @!p0 [sflag:s21], $0x1000  }
0xb9: {  	[sflag:s21] =	ssyncset.done @!p0 $0x0  }
0xba: {  	s23 =	simm.s32 @!p0 $0x9400;
	[sflag:s21] =	ssyncadd.s32 @!p0 $0xFFFFF000;
	s21 =	sadd.s32 @!p0 $0x180, s15  }
0xbb: {  	[tilespmem:s23], [sflag:$0x4] =	stream.indirect.gather @!p0 [hbm4b:s3+s19], $0x40, s21, s19, $0xb8;
	[tilespmem:$0x16400] =	vst v63  }
0xbc: {  	s21 =	sadd.s32 @!p0 $0x1C0, s15;
	s23 =	simm.s32 @!p0 $0x11400  }
0xbd: {  	[tilespmem:s23], [sflag:$0x4] =	stream.indirect.gather @!p0 [hbm4b:s3+s19], $0x40, s21, s19, $0xb8;
	[tilespmem:$0x16400] =	vst v63  }
0xbe: {  	_ =	swait.ge [sflag:s10], $0x1000  }
0xbf: {  	[sflag:s10] =	ssyncset.done $0x0  }
0xc0: {  	[sflag:s10] =	ssyncadd.s32 $0xFFFFF000  }
0xc1: {  	_ =	swait.ge [sflag:s10], $0x1000  }
0xc2: {  	[sflag:s10] =	ssyncset.done $0x0  }
0xc3: {  	s21 =	simm.s32 @p0 $0xE;
	[sflag:s10] =	ssyncadd.s32 $0xFFFFF000  }
0xc4: {  	_ =	swait.ge @p0 [sflag:s21], $0x1000  }
0xc5: {  	[sflag:s21] =	ssyncset.done @p0 $0x0  }
0xc6: {  	[sflag:s21] =	ssyncadd.s32 @p0 $0xFFFFF000  }
0xc7: {  	_ =	swait.ge @p0 [sflag:s21], $0x1000  }
0xc8: {  	[sflag:s21] =	ssyncset.done @p0 $0x0  }
0xc9: {  	s23 =	simm.s32 @!p0 $0xA400;
	[sflag:s21] =	ssyncadd.s32 @p0 $0xFFFFF000;
	s21 =	sadd.s32 @!p0 $0x200, s15  }
0xca: {  	[tilespmem:s23], [sflag:$0x5] =	stream.indirect.gather @!p0 [hbm4b:s3+s19], $0x40, s21, s19, $0xb8;
	[tilespmem:$0x16400] =	vst v63  }
0xcb: {  	s21 =	sadd.s32 @!p0 $0x240, s15;
	s23 =	simm.s32 @!p0 $0x12400  }
0xcc: {  	[tilespmem:s23], [sflag:$0x5] =	stream.indirect.gather @!p0 [hbm4b:s3+s19], $0x40, s21, s19, $0xb8;
	[tilespmem:$0x16400] =	vst v63  }
0xcd: {  	s21 =	simm.s32 @!p0 $0xE  }
0xce: {  	_ =	swait.ge @!p0 [sflag:s21], $0x1000  }
0xcf: {  	[sflag:s21] =	ssyncset.done @!p0 $0x0  }
0xd0: {  	[sflag:s21] =	ssyncadd.s32 @!p0 $0xFFFFF000  }
0xd1: {  	_ =	swait.ge @!p0 [sflag:s21], $0x1000  }
0xd2: {  	[sflag:s21] =	ssyncset.done @!p0 $0x0  }
0xd3: {  	s23 =	simm.s32 @!p0 $0xB400;
	[sflag:s21] =	ssyncadd.s32 @!p0 $0xFFFFF000;
	s21 =	sadd.s32 @!p0 $0x280, s15  }
0xd4: {  	[tilespmem:s23], [sflag:$0x6] =	stream.indirect.gather @!p0 [hbm4b:s3+s19], $0x40, s21, s19, $0xb8;
	[tilespmem:$0x16400] =	vst v63  }
0xd5: {  	s21 =	sadd.s32 @!p0 $0x2C0, s15;
	s23 =	simm.s32 @!p0 $0x13400  }
0xd6: {  	[tilespmem:s23], [sflag:$0x6] =	stream.indirect.gather @!p0 [hbm4b:s3+s19], $0x40, s21, s19, $0xb8;
	[tilespmem:$0x16400] =	vst v63  }
0xd7: {  	_ =	swait.ge [sflag:s11], $0x1000  }
.Ltmp2:
0xd8: {  	[sflag:s11] =	ssyncset.done $0x0;
	(pc) =	sbr.rel @p0 .LBB2_4-.Ltmp2, $4  }
0xd9: {  	[sflag:s11] =	ssyncadd.s32 $0xFFFFF000  }
0xda: {  	_ =	swait.ge [sflag:s11], $0x1000  }
0xdb: {  	[sflag:s11] =	ssyncset.done $0x0  }
0xdc: {  	[sflag:s11] =	ssyncadd.s32 $0xFFFFF000  }
0xdd: {  	s19 =	sadd.s32 $0x300, s15  }
0xde: {  	[tilespmem:s14], [sflag:$0x7] =	stream.indirect.gather [hbm4b:s3+s9], $0x40, s19, s9, $0xb8;
	[tilespmem:$0x16400] =	vst v63  }
0xdf: {  	s23 =	sadd.s32 $0x340, s15  }
0xe0: {  	[tilespmem:s18], [sflag:$0x7] =	stream.indirect.gather [hbm4b:s3+s9], $0x40, s23, s9, $0xb8;
	[tilespmem:$0x16400] =	vst v63  }
0xe1: {  	_ =	swait.ge [sflag:s13], $0x1000  }
0xe2: {  	[sflag:s13] =	ssyncset.done $0x0  }
0xe3: {  	[sflag:s13] =	ssyncadd.s32 $0xFFFFF000  }
0xe4: {  	_ =	swait.ge [sflag:s13], $0x1000  }
.Ltmp3:
0xe5: {  	[sflag:s13] =	ssyncset.done $0x0;
	(pc) =	sbr.rel .LBB2_2-.Ltmp3, $4  }
0xe6: {  	s21 =	sadd.s32 $0x380, s15;
	[sflag:s13] =	ssyncadd.s32 $0xFFFFF000  }
0xe7: {  	[tilespmem:s22], [sflag:$0x8] =	stream.indirect.gather [hbm4b:s3+s9], $0x40, s21, s9, $0xb8;
	[tilespmem:$0x16400] =	vst v63  }
0xe8: {  	s17 =	sadd.s32 $0x2000, s17;
	s23 =	sadd.s32 $0x3C0, s15;
	s15 =	sadd.s32 $0x400, s15  }
0xe9: {  	[tilespmem:s26], [sflag:$0x8] =	stream.indirect.gather [hbm4b:s3+s9], $0x40, s23, s9, $0xb8;
	[tilespmem:$0x16400] =	vst v63  }
.LBB2_5:
0xea: {  	_ =	sfence.sel $0x180000  }
0xeb: {  	[bflag:$0x0] =	sbarrier.arrive $0xFFFF  }
0xec: {  	_ =	strace $0x90000047  }
0xed: {  	s0 =	stileid.u32;
	[bflag:$0x2] =	sbarrier.arrive $0xFFFF  }
0xee: {  	p0 =	sne.s32 s0, $0x0;
	s0 =	rddreg [dreg:$0x2]  }
0xef: {  	s0 =	sadd.s32 @!p0 $0x100000, s0  }
0xf0: {  	[sflag:s0] =	ssyncadd.tile.s32 @!p0 $0x1;
	_ =	shalt  }
.Lfunc_end2:
_tile_overlayer_lowered:
.L_overlay_start_2:
0xf1: {  	(tag) =	ssettag $0x2  }
0xf2: {  	s0 =	rddreg [dreg:$0x0];
	s2 =	stileid.u32  }
0xf3: {  	s1 =	rddreg [dreg:$0x1];
	p0 =	sne.s32 s2, $0x0  }
0xf4: {  	s3 =	rddreg [dreg:$0x2];
	[bflag:$0x3] =	sbarrier.arrive $0xFFFF;
	s2 =	simm.s32 @!p0 $0x1C11  }
0xf5: {  	[timem:s3], [sflag:s2] =	dma.local @!p0 [hbm:s0], s1  }
0xf6: {  	s0 =	simm.s32 @!p0 $0x11  }
0xf7: {  	_ =	swait.ge @!p0 [sflag:s0], s1  }
0xf8: {  	s1 =	ssub.s32 @!p0 $0x0, s1;
	[sflag:s0] =	ssyncset.done @!p0 $0x0  }
0xf9: {  	[sflag:s0] =	ssyncadd.s32 @!p0 s1  }
0xfa: {  	[bflag:$0x3] =	sbarrier.arrive $0xFFFF  }
0xfb: {  	_ =	shalt  }

</sc_bundles>
